<compile_context>
chip_gen: v7x
topology: tpu7x:2x2x1
jax: 0.10.2.dev20260603
libtpu: 0.0.44.dev20260713+nightly
codegen_flags: <defaults>
</compile_context>

<pallas_src>
import jax
import jax.numpy as jnp
from jax import lax
from jax.experimental import pallas as pl
from jax.experimental.pallas import tpu as pltpu
from jax.experimental.pallas import tpu_sc as plsc

_B = 16
_TOTAL = 32768
_L = 2048
_LANES = 16
_NC = 2
_NS = 16
_NW = _NC * _NS
_CHUNK = (_B * _L) // _NW
_STAGE = _CHUNK + 8
_NSTREAM = 8
_IW = _CHUNK // _NSTREAM
_NCH = _CHUNK // _LANES


def _tok_body(flat_hbm, cu_hbm, table_hbm, out_hbm, cu_v, ft_v, tok_v, val_v, sem):
    wid = lax.axis_index("s") * _NC + lax.axis_index("c")
    b = wid // 2
    h = wid % 2
    l0 = h * _CHUNK

    pltpu.sync_copy(cu_hbm, cu_v)

    lane = lax.iota(jnp.int32, _LANES)
    b_splat = jnp.full((_LANES,), b, jnp.int32)
    start = jnp.max(plsc.load_gather(cu_v, [b_splat]))
    end_splat = plsc.load_gather(cu_v, [b_splat + 1])
    end = jnp.max(end_splat)

    off_raw = start + l0
    n_valid = jnp.clip(end - off_raw, 0, _CHUNK)

    off = pl.multiple_of(jnp.minimum(off_raw & -8, _TOTAL - _STAGE), 8)
    base = off_raw - off

    @pl.when(n_valid > 0)
    def _stage():
        pltpu.sync_copy(flat_hbm.at[pl.ds(off, _STAGE)], ft_v)

    copies = []
    for r in range(_NSTREAM):
        fire = n_valid > r * _IW

        @pl.when(fire)
        def _prep_and_fire():
            @plsc.parallel_loop(r * (_IW // _LANES), (r + 1) * (_IW // _LANES),
                                unroll=8)
            def prep(j):
                lpos = j * _LANES + lane
                lidx = jnp.minimum(base + lpos, _STAGE - 1)
                tok = plsc.load_gather(ft_v, [lidx])
                plsc.store_scatter(tok_v, [lpos], tok)

            pltpu.async_copy(
                table_hbm.at[tok_v.at[pl.ds(r * _IW, _IW)]],
                val_v.at[pl.ds(r * _IW, _IW)],
                sem,
            )

        copies.append(fire)
    for r, fire in enumerate(copies):
        @pl.when(fire)
        def _drain():
            pltpu.make_async_copy(
                table_hbm.at[tok_v.at[pl.ds(r * _IW, _IW)]],
                val_v.at[pl.ds(r * _IW, _IW)],
                sem,
            ).wait()

    jz = n_valid // _LANES

    @pl.when(jz < _NCH)
    def _mixed():
        lpos = jz * _LANES + lane
        val = plsc.load_gather(val_v, [lpos])
        keep = (off_raw + lpos) < end_splat
        plsc.store_scatter(val_v, [lpos], jnp.where(keep, val, 0.0))

    zeros = jnp.zeros((_LANES,), jnp.float32)

    def zfill(j, c):
        plsc.store_scatter(val_v, [j * _LANES + lane], zeros)
        return c

    lax.fori_loop(jz + 1, _NCH, zfill, 0)

    pltpu.sync_copy(val_v, out_hbm.at[b, h])


def kernel(flat_tokens, cu_seqlens, lookup_table):
    mesh = plsc.VectorSubcoreMesh(core_axis_name="c", subcore_axis_name="s")
    out = pl.kernel(
        _tok_body,
        out_type=jax.ShapeDtypeStruct((_B, 2, _CHUNK), jnp.float32),
        mesh=mesh,
        compiler_params=pltpu.CompilerParams(
            needs_layout_passes=False, use_tc_tiling_on_sc=False
        ),
        scratch_types=[
            pltpu.VMEM((_B + 1,), jnp.int32),
            pltpu.VMEM((_STAGE,), jnp.int32),
            pltpu.VMEM((_CHUNK,), jnp.int32),
            pltpu.VMEM((_CHUNK,), jnp.float32),
            pltpu.SemaphoreType.DMA,
        ],
    )(flat_tokens, cu_seqlens.astype(jnp.int32), lookup_table)
    return out.reshape(_B, _L)

# --- scband reference (transcript-rebuilt; emitter-appended) ---
"""Pipeline reference for scband-tokenizer-71975061946789 (READ-ONLY COPY).

The authoritative reference and input builder live on the scoring server;
editing this copy changes nothing except your own understanding.
"""

import jax, jax.numpy as jnp
import numpy as np

B = 16
TOTAL = 32768
L = 2048  # output_sequence_length
V = 1000000  # lookup table size (hash table keys 0..V-1)


def setup_inputs(seed: int = 0) -> dict:
    key = jax.random.key(seed)
    k1, k2, k3 = jax.random.split(key, 3)
    # pre-split raw token ids (stand-in for hashed string tokens)
    flat_tokens = jax.random.randint(k1, (TOTAL,), 0, V, dtype=jnp.int32)
    # ragged row splits (cu_seqlens), monotone, starting at 0 and ending at TOTAL
    inner = jnp.sort(jax.random.randint(k2, (B - 1,), 0, TOTAL, dtype=jnp.int32))
    cu_seqlens = jnp.concatenate([
        jnp.zeros((1,), jnp.int32), inner, jnp.full((1,), TOTAL, jnp.int32)
    ])
    # StaticHashTable values (default_value=0 -> index 0 covered since all keys in range)
    lookup_table = jax.random.normal(k3, (V,), dtype=jnp.float32)
    return {"flat_tokens": flat_tokens, "cu_seqlens": cu_seqlens, "lookup_table": lookup_table}


def reference(flat_tokens, cu_seqlens, lookup_table):
    # tf.ragged.map_flat_values(lookup.lookup, words) -> gather on flat values
    ids = jnp.take(lookup_table, flat_tokens, axis=0)
    # pad_and_trunc: ragged -> dense [B, L] (to_tensor + truncate + pad with 0)
    tok_idx = jnp.arange(flat_tokens.shape[0])
    seg = jnp.searchsorted(cu_seqlens, tok_idx, side='right') - 1
    pos = tok_idx - jnp.take(cu_seqlens, seg)
    valid = pos < L
    pos_c = jnp.where(valid, pos, L)  # out-of-range -> dropped by scatter
    dense = jnp.zeros((B, L), dtype=lookup_table.dtype)
    dense = dense.at[seg, pos_c].set(ids, mode='drop')
    return dense

if __name__ == "__main__":
    import jax
    _d = setup_inputs()
    print(jax.jit(kernel)(*tuple(_d.values())))

</pallas_src>

<mosaic_0001>
#map = affine_map<(d0, d1) -> (0)>
#map1 = affine_map<(d0, d1) -> (0, 0, 0)>
module attributes {stable_mosaic.version = 14 : i64} {
  func.func @_tok_body(%arg0: i32, %arg1: i32, %arg2: memref<32768xi32, #tpu.memory_space<hbm>>, %arg3: memref<17xi32, #tpu.memory_space<hbm>>, %arg4: memref<1000000xf32, #tpu.memory_space<hbm>>, %arg5: memref<16x2x1024xf32, #tpu.memory_space<hbm>>, %arg6: memref<17xi32, #tpu.memory_space<vmem>>, %arg7: memref<1032xi32, #tpu.memory_space<vmem>>, %arg8: memref<1024xi32, #tpu.memory_space<vmem>>, %arg9: memref<1024xf32, #tpu.memory_space<vmem>>, %arg10: memref<!tpu.dma_semaphore, #tpu.memory_space<semaphore_mem>>) attributes {dimension_semantics = [#tpu.dimension_semantics<core_parallel>, #tpu.dimension_semantics<subcore_parallel>], iteration_bounds = array<i64: 2, 16>, scalar_prefetch = 0 : i64, scratch_operands = 5 : i64, tpu.core_type = #tpu.core_type<sc_vector_subcore>, window_params = [{transform_indices = #map}, {transform_indices = #map}, {transform_indices = #map}, {transform_indices = #map1}]} {
    %mul3A = arith.constant 2 : i32
    %mul3A_0 = arith.muli %arg1, %mul3A : i32
    %add3A = arith.addi %mul3A_0, %arg0 : i32
    %jit3A = arith.constant 2 : i32
    %div3A = arith.divsi %add3A, %jit3A : i32
    %sign3A = arith.constant 0 : i32
    %sign3A_1 = arith.cmpi sgt, %add3A, %sign3A : i32
    %sign3A_2 = arith.extui %sign3A_1 : i1 to i32
    %sign3A_3 = arith.constant 0 : i32
    %sign3A_4 = arith.cmpi slt, %add3A, %sign3A_3 : i32
    %sign3A_5 = arith.extui %sign3A_4 : i1 to i32
    %sign3A_6 = arith.subi %sign3A_2, %sign3A_5 : i32
    %sign3A_7 = arith.constant 0 : i32
    %sign3A_8 = arith.cmpi sgt, %jit3A, %sign3A_7 : i32
    %sign3A_9 = arith.extui %sign3A_8 : i1 to i32
    %sign3A_10 = arith.constant 0 : i32
    %sign3A_11 = arith.cmpi slt, %jit3A, %sign3A_10 : i32
    %sign3A_12 = arith.extui %sign3A_11 : i1 to i32
    %sign3A_13 = arith.subi %sign3A_9, %sign3A_12 : i32
    %ne3A = arith.cmpi ne, %sign3A_6, %sign3A_13 : i32
    %rem3A = arith.remsi %add3A, %jit3A : i32
    %ne3A_14 = arith.constant 0 : i32
    %ne3A_15 = arith.cmpi ne, %rem3A, %ne3A_14 : i32
    %and3A = arith.andi %ne3A, %ne3A_15 : i1
    %sub3A = arith.constant 1 : i32
    %sub3A_16 = arith.subi %div3A, %sub3A : i32
    %select_n3A = arith.select %and3A, %sub3A_16, %div3A : i32
    %jit3A_17 = arith.constant 2 : i32
    %eq3A = arith.constant 0 : i32
    %eq3A_18 = arith.cmpi eq, %jit3A_17, %eq3A : i32
    %jit3A_19 = arith.constant 1 : i32
    %select_n3A_20 = arith.select %eq3A_18, %jit3A_19, %jit3A_17 : i32
    %rem3A_21 = arith.remsi %add3A, %select_n3A_20 : i32
    %ne3A_22 = arith.constant 0 : i32
    %ne3A_23 = arith.cmpi ne, %rem3A_21, %ne3A_22 : i32
    %lt3A = arith.constant 0 : i32
    %lt3A_24 = arith.cmpi slt, %rem3A_21, %lt3A : i32
    %lt3A_25 = arith.constant 0 : i32
    %lt3A_26 = arith.cmpi slt, %select_n3A_20, %lt3A_25 : i32
    %ne3A_27 = arith.xori %lt3A_24, %lt3A_26 : i1
    %and3A_28 = arith.andi %ne3A_27, %ne3A_23 : i1
    %add3A_29 = arith.addi %rem3A_21, %select_n3A_20 : i32
    %select_n3A_30 = arith.select %and3A_28, %add3A_29, %rem3A_21 : i32
    %mul3A_31 = arith.constant 1024 : i32
    %mul3A_32 = arith.muli %select_n3A_30, %mul3A_31 : i32
    "tpu.region"() ({
      %run_scoped3A = tpu.sem_alloc : memref<!tpu.dma_semaphore, #tpu.memory_space<semaphore_mem>>
      tpu.enqueue_dma source(%arg3 : memref<17xi32, #tpu.memory_space<hbm>>) target(%arg6 : memref<17xi32, #tpu.memory_space<vmem>>) target_semaphore(%run_scoped3A : memref<!tpu.dma_semaphore, #tpu.memory_space<semaphore_mem>>)
      tpu.wait_dma2 semaphore(%run_scoped3A : memref<!tpu.dma_semaphore, #tpu.memory_space<semaphore_mem>>) src(%arg3 : memref<17xi32, #tpu.memory_space<hbm>>) dst(%arg6 : memref<17xi32, #tpu.memory_space<vmem>>)
      tpu.yield
    }) : () -> ()
    %iota3A = tpu.iota {dimensions = array<i32: 0>} : vector<16xi32>
    %broadcast_in_dim3A = vector.broadcast %select_n3A : i32 to vector<16xi32>
    %gather3A = tpu.vector_load_idx %arg6[%broadcast_in_dim3A] : memref<17xi32, #tpu.memory_space<vmem>>[vector<16xi32>], vector<16xi32>,
    %reduce_max3A = arith.constant true
    %reduce_max3A_33 = vector.broadcast %reduce_max3A : i1 to vector<16xi1>
    %reduce_max3A_34 = arith.constant -2147483648 : i32
    %reduce_max3A_35 = vector.broadcast %reduce_max3A_34 : i32 to vector<16xi32>
    %reduce_max3A_36 = arith.xori %gather3A, %reduce_max3A_35 : vector<16xi32>
    %reduce_max3A_37 = tpu.scan <max>, %reduce_max3A_36 masked %reduce_max3A_33 : vector<16xi32>, vector<16xi1> -> vector<16xi32>
    %reduce_max3A_38 = arith.xori %reduce_max3A_37, %reduce_max3A_35 : vector<16xi32>
    %reduce_max3A_39 = vector.extract %reduce_max3A_38[15] : i32 from vector<16xi32>
    %add3A_40 = arith.constant 1 : i32
    %add3A_41 = vector.broadcast %add3A_40 : i32 to vector<16xi32>
    %add3A_42 = arith.addi %broadcast_in_dim3A, %add3A_41 : vector<16xi32>
    %gather3A_43 = tpu.vector_load_idx %arg6[%add3A_42] : memref<17xi32, #tpu.memory_space<vmem>>[vector<16xi32>], vector<16xi32>,
    %reduce_max3A_44 = arith.constant true
    %reduce_max3A_45 = vector.broadcast %reduce_max3A_44 : i1 to vector<16xi1>
    %reduce_max3A_46 = arith.constant -2147483648 : i32
    %reduce_max3A_47 = vector.broadcast %reduce_max3A_46 : i32 to vector<16xi32>
    %reduce_max3A_48 = arith.xori %gather3A_43, %reduce_max3A_47 : vector<16xi32>
    %reduce_max3A_49 = tpu.scan <max>, %reduce_max3A_48 masked %reduce_max3A_45 : vector<16xi32>, vector<16xi1> -> vector<16xi32>
    %reduce_max3A_50 = arith.xori %reduce_max3A_49, %reduce_max3A_47 : vector<16xi32>
    %reduce_max3A_51 = vector.extract %reduce_max3A_50[15] : i32 from vector<16xi32>
    %add3A_52 = arith.addi %reduce_max3A_39, %mul3A_32 : i32
    %sub3A_53 = arith.subi %reduce_max3A_51, %add3A_52 : i32
    %jit3A_54 = arith.constant 0 : i32
    %jit3A_55 = arith.constant 1024 : i32
    %max3A = arith.maxsi %jit3A_54, %sub3A_53 : i32
    %min3A = arith.minsi %jit3A_55, %max3A : i32
    %and3A_56 = arith.constant -8 : i32
    %and3A_57 = arith.andi %add3A_52, %and3A_56 : i32
    %min3A_58 = arith.constant 31736 : i32
    %min3A_59 = arith.minsi %and3A_57, %min3A_58 : i32
    %multiple_of3A = tpu.assume_multiple %min3A_59, 8 : i32
    %sub3A_60 = arith.subi %add3A_52, %multiple_of3A : i32
    %gt3A = arith.constant 0 : i32
    %gt3A_61 = arith.cmpi sgt, %min3A, %gt3A : i32
    %convert_element_type3A = arith.extui %gt3A_61 : i1 to i32
    %cond3A = arith.constant 0 : i32
    %cond3A_62 = arith.cmpi ne, %convert_element_type3A, %cond3A : i32
    scf.if %cond3A_62 {
      "tpu.region"() ({
        %run_scoped3A = tpu.sem_alloc : memref<!tpu.dma_semaphore, #tpu.memory_space<semaphore_mem>>
        %dma_start3A = tpu.memref_slice %arg2[%multiple_of3A] : memref<32768xi32, #tpu.memory_space<hbm>> -> memref<1032xi32, #tpu.memory_space<hbm>>
        %dma_start3A_169 = tpu.memref_slice %arg2[%multiple_of3A] : memref<32768xi32, #tpu.memory_space<hbm>> -> memref<1032xi32, #tpu.memory_space<hbm>>
        tpu.enqueue_dma source(%dma_start3A_169 : memref<1032xi32, #tpu.memory_space<hbm>>) target(%arg7 : memref<1032xi32, #tpu.memory_space<vmem>>) target_semaphore(%run_scoped3A : memref<!tpu.dma_semaphore, #tpu.memory_space<semaphore_mem>>)
        %dma_wait3A = tpu.memref_slice %arg2[%multiple_of3A] : memref<32768xi32, #tpu.memory_space<hbm>> -> memref<1032xi32, #tpu.memory_space<hbm>>
        %dma_wait3A_170 = tpu.memref_slice %arg2[%multiple_of3A] : memref<32768xi32, #tpu.memory_space<hbm>> -> memref<1032xi32, #tpu.memory_space<hbm>>
        tpu.wait_dma2 semaphore(%run_scoped3A : memref<!tpu.dma_semaphore, #tpu.memory_space<semaphore_mem>>) src(%dma_wait3A_170 : memref<1032xi32, #tpu.memory_space<hbm>>) dst(%arg7 : memref<1032xi32, #tpu.memory_space<vmem>>)
        tpu.yield
      }) : () -> ()
    } else {
    }
    %gt3A_63 = arith.constant 0 : i32
    %gt3A_64 = arith.cmpi sgt, %min3A, %gt3A_63 : i32
    %convert_element_type3A_65 = arith.extui %gt3A_64 : i1 to i32
    %cond3A_66 = arith.constant 0 : i32
    %cond3A_67 = arith.cmpi ne, %convert_element_type3A_65, %cond3A_66 : i32
    scf.if %cond3A_67 {
      %parallel_loop3A = arith.constant 0 : i32
      %parallel_loop3A_169 = arith.constant 8 : i32
      %parallel_loop3A_170 = arith.constant 1 : i32
      scf.for %parallel_loop3A_176 = %parallel_loop3A to %parallel_loop3A_169 step %parallel_loop3A_170  : i32 {
        %parallel_loop3A_177 = arith.constant 16 : i32
        %parallel_loop3A_178 = arith.muli %parallel_loop3A_176, %parallel_loop3A_177 : i32
        %parallel_loop3A_179 = vector.broadcast %parallel_loop3A_178 : i32 to vector<16xi32>
        %parallel_loop3A_180 = arith.addi %parallel_loop3A_179, %iota3A : vector<16xi32>
        %parallel_loop3A_181 = vector.broadcast %sub3A_60 : i32 to vector<16xi32>
        %parallel_loop3A_182 = arith.addi %parallel_loop3A_181, %parallel_loop3A_180 : vector<16xi32>
        %parallel_loop3A_183 = arith.constant 1031 : i32
        %parallel_loop3A_184 = vector.broadcast %parallel_loop3A_183 : i32 to vector<16xi32>
        %parallel_loop3A_185 = arith.minsi %parallel_loop3A_182, %parallel_loop3A_184 : vector<16xi32>
        %parallel_loop3A_186 = tpu.vector_load_idx %arg7[%parallel_loop3A_185] : memref<1032xi32, #tpu.memory_space<vmem>>[vector<16xi32>], vector<16xi32>,
        tpu.vector_store_idx %arg8[%parallel_loop3A_180], %parallel_loop3A_186 : memref<1024xi32, #tpu.memory_space<vmem>>[vector<16xi32>], vector<16xi32>,
      } {sc.loop_unroll_factor = 8 : i64, sc.parallel_access}
      %dma_start3A = arith.constant 0 : i32
      %dma_start3A_171 = tpu.memref_slice %arg9[%dma_start3A] : memref<1024xf32, #tpu.memory_space<vmem>> -> memref<128xf32, #tpu.memory_space<vmem>>
      %dma_start3A_172 = arith.constant 0 : i32
      %dma_start3A_173 = tpu.memref_slice %arg8[%dma_start3A_172] : memref<1024xi32, #tpu.memory_space<vmem>> -> memref<128xi32, #tpu.memory_space<vmem>>
      %dma_start3A_174 = arith.constant 0 : i32
      %dma_start3A_175 = tpu.memref_slice %arg4[%dma_start3A_174] : memref<1000000xf32, #tpu.memory_space<hbm>> -> memref<1000000xf32, #tpu.memory_space<hbm>>
      tpu.enqueue_indirect_dma source(%dma_start3A_175 : memref<1000000xf32, #tpu.memory_space<hbm>>) target(%dma_start3A_171 : memref<128xf32, #tpu.memory_space<vmem>>) offsets(%dma_start3A_173 : memref<128xi32, #tpu.memory_space<vmem>>) semaphore(%arg10 : memref<!tpu.dma_semaphore, #tpu.memory_space<semaphore_mem>>)
    } else {
    }
    %gt3A_68 = arith.constant 128 : i32
    %gt3A_69 = arith.cmpi sgt, %min3A, %gt3A_68 : i32
    %convert_element_type3A_70 = arith.extui %gt3A_69 : i1 to i32
    %cond3A_71 = arith.constant 0 : i32
    %cond3A_72 = arith.cmpi ne, %convert_element_type3A_70, %cond3A_71 : i32
    scf.if %cond3A_72 {
      %parallel_loop3A = arith.constant 8 : i32
      %parallel_loop3A_169 = arith.constant 16 : i32
      %parallel_loop3A_170 = arith.constant 1 : i32
      scf.for %parallel_loop3A_176 = %parallel_loop3A to %parallel_loop3A_169 step %parallel_loop3A_170  : i32 {
        %parallel_loop3A_177 = arith.constant 16 : i32
        %parallel_loop3A_178 = arith.muli %parallel_loop3A_176, %parallel_loop3A_177 : i32
        %parallel_loop3A_179 = vector.broadcast %parallel_loop3A_178 : i32 to vector<16xi32>
        %parallel_loop3A_180 = arith.addi %parallel_loop3A_179, %iota3A : vector<16xi32>
        %parallel_loop3A_181 = vector.broadcast %sub3A_60 : i32 to vector<16xi32>
        %parallel_loop3A_182 = arith.addi %parallel_loop3A_181, %parallel_loop3A_180 : vector<16xi32>
        %parallel_loop3A_183 = arith.constant 1031 : i32
        %parallel_loop3A_184 = vector.broadcast %parallel_loop3A_183 : i32 to vector<16xi32>
        %parallel_loop3A_185 = arith.minsi %parallel_loop3A_182, %parallel_loop3A_184 : vector<16xi32>
        %parallel_loop3A_186 = tpu.vector_load_idx %arg7[%parallel_loop3A_185] : memref<1032xi32, #tpu.memory_space<vmem>>[vector<16xi32>], vector<16xi32>,
        tpu.vector_store_idx %arg8[%parallel_loop3A_180], %parallel_loop3A_186 : memref<1024xi32, #tpu.memory_space<vmem>>[vector<16xi32>], vector<16xi32>,
      } {sc.loop_unroll_factor = 8 : i64, sc.parallel_access}
      %dma_start3A = arith.constant 128 : i32
      %dma_start3A_171 = tpu.memref_slice %arg9[%dma_start3A] : memref<1024xf32, #tpu.memory_space<vmem>> -> memref<128xf32, #tpu.memory_space<vmem>>
      %dma_start3A_172 = arith.constant 128 : i32
      %dma_start3A_173 = tpu.memref_slice %arg8[%dma_start3A_172] : memref<1024xi32, #tpu.memory_space<vmem>> -> memref<128xi32, #tpu.memory_space<vmem>>
      %dma_start3A_174 = arith.constant 0 : i32
      %dma_start3A_175 = tpu.memref_slice %arg4[%dma_start3A_174] : memref<1000000xf32, #tpu.memory_space<hbm>> -> memref<1000000xf32, #tpu.memory_space<hbm>>
      tpu.enqueue_indirect_dma source(%dma_start3A_175 : memref<1000000xf32, #tpu.memory_space<hbm>>) target(%dma_start3A_171 : memref<128xf32, #tpu.memory_space<vmem>>) offsets(%dma_start3A_173 : memref<128xi32, #tpu.memory_space<vmem>>) semaphore(%arg10 : memref<!tpu.dma_semaphore, #tpu.memory_space<semaphore_mem>>)
    } else {
    }
    %gt3A_73 = arith.constant 256 : i32
    %gt3A_74 = arith.cmpi sgt, %min3A, %gt3A_73 : i32
    %convert_element_type3A_75 = arith.extui %gt3A_74 : i1 to i32
    %cond3A_76 = arith.constant 0 : i32
    %cond3A_77 = arith.cmpi ne, %convert_element_type3A_75, %cond3A_76 : i32
    scf.if %cond3A_77 {
      %parallel_loop3A = arith.constant 16 : i32
      %parallel_loop3A_169 = arith.constant 24 : i32
      %parallel_loop3A_170 = arith.constant 1 : i32
      scf.for %parallel_loop3A_176 = %parallel_loop3A to %parallel_loop3A_169 step %parallel_loop3A_170  : i32 {
        %parallel_loop3A_177 = arith.constant 16 : i32
        %parallel_loop3A_178 = arith.muli %parallel_loop3A_176, %parallel_loop3A_177 : i32
        %parallel_loop3A_179 = vector.broadcast %parallel_loop3A_178 : i32 to vector<16xi32>
        %parallel_loop3A_180 = arith.addi %parallel_loop3A_179, %iota3A : vector<16xi32>
        %parallel_loop3A_181 = vector.broadcast %sub3A_60 : i32 to vector<16xi32>
        %parallel_loop3A_182 = arith.addi %parallel_loop3A_181, %parallel_loop3A_180 : vector<16xi32>
        %parallel_loop3A_183 = arith.constant 1031 : i32
        %parallel_loop3A_184 = vector.broadcast %parallel_loop3A_183 : i32 to vector<16xi32>
        %parallel_loop3A_185 = arith.minsi %parallel_loop3A_182, %parallel_loop3A_184 : vector<16xi32>
        %parallel_loop3A_186 = tpu.vector_load_idx %arg7[%parallel_loop3A_185] : memref<1032xi32, #tpu.memory_space<vmem>>[vector<16xi32>], vector<16xi32>,
        tpu.vector_store_idx %arg8[%parallel_loop3A_180], %parallel_loop3A_186 : memref<1024xi32, #tpu.memory_space<vmem>>[vector<16xi32>], vector<16xi32>,
      } {sc.loop_unroll_factor = 8 : i64, sc.parallel_access}
      %dma_start3A = arith.constant 256 : i32
      %dma_start3A_171 = tpu.memref_slice %arg9[%dma_start3A] : memref<1024xf32, #tpu.memory_space<vmem>> -> memref<128xf32, #tpu.memory_space<vmem>>
      %dma_start3A_172 = arith.constant 256 : i32
      %dma_start3A_173 = tpu.memref_slice %arg8[%dma_start3A_172] : memref<1024xi32, #tpu.memory_space<vmem>> -> memref<128xi32, #tpu.memory_space<vmem>>
      %dma_start3A_174 = arith.constant 0 : i32
      %dma_start3A_175 = tpu.memref_slice %arg4[%dma_start3A_174] : memref<1000000xf32, #tpu.memory_space<hbm>> -> memref<1000000xf32, #tpu.memory_space<hbm>>
      tpu.enqueue_indirect_dma source(%dma_start3A_175 : memref<1000000xf32, #tpu.memory_space<hbm>>) target(%dma_start3A_171 : memref<128xf32, #tpu.memory_space<vmem>>) offsets(%dma_start3A_173 : memref<128xi32, #tpu.memory_space<vmem>>) semaphore(%arg10 : memref<!tpu.dma_semaphore, #tpu.memory_space<semaphore_mem>>)
    } else {
    }
    %gt3A_78 = arith.constant 384 : i32
    %gt3A_79 = arith.cmpi sgt, %min3A, %gt3A_78 : i32
    %convert_element_type3A_80 = arith.extui %gt3A_79 : i1 to i32
    %cond3A_81 = arith.constant 0 : i32
    %cond3A_82 = arith.cmpi ne, %convert_element_type3A_80, %cond3A_81 : i32
    scf.if %cond3A_82 {
      %parallel_loop3A = arith.constant 24 : i32
      %parallel_loop3A_169 = arith.constant 32 : i32
      %parallel_loop3A_170 = arith.constant 1 : i32
      scf.for %parallel_loop3A_176 = %parallel_loop3A to %parallel_loop3A_169 step %parallel_loop3A_170  : i32 {
        %parallel_loop3A_177 = arith.constant 16 : i32
        %parallel_loop3A_178 = arith.muli %parallel_loop3A_176, %parallel_loop3A_177 : i32
        %parallel_loop3A_179 = vector.broadcast %parallel_loop3A_178 : i32 to vector<16xi32>
        %parallel_loop3A_180 = arith.addi %parallel_loop3A_179, %iota3A : vector<16xi32>
        %parallel_loop3A_181 = vector.broadcast %sub3A_60 : i32 to vector<16xi32>
        %parallel_loop3A_182 = arith.addi %parallel_loop3A_181, %parallel_loop3A_180 : vector<16xi32>
        %parallel_loop3A_183 = arith.constant 1031 : i32
        %parallel_loop3A_184 = vector.broadcast %parallel_loop3A_183 : i32 to vector<16xi32>
        %parallel_loop3A_185 = arith.minsi %parallel_loop3A_182, %parallel_loop3A_184 : vector<16xi32>
        %parallel_loop3A_186 = tpu.vector_load_idx %arg7[%parallel_loop3A_185] : memref<1032xi32, #tpu.memory_space<vmem>>[vector<16xi32>], vector<16xi32>,
        tpu.vector_store_idx %arg8[%parallel_loop3A_180], %parallel_loop3A_186 : memref<1024xi32, #tpu.memory_space<vmem>>[vector<16xi32>], vector<16xi32>,
      } {sc.loop_unroll_factor = 8 : i64, sc.parallel_access}
      %dma_start3A = arith.constant 384 : i32
      %dma_start3A_171 = tpu.memref_slice %arg9[%dma_start3A] : memref<1024xf32, #tpu.memory_space<vmem>> -> memref<128xf32, #tpu.memory_space<vmem>>
      %dma_start3A_172 = arith.constant 384 : i32
      %dma_start3A_173 = tpu.memref_slice %arg8[%dma_start3A_172] : memref<1024xi32, #tpu.memory_space<vmem>> -> memref<128xi32, #tpu.memory_space<vmem>>
      %dma_start3A_174 = arith.constant 0 : i32
      %dma_start3A_175 = tpu.memref_slice %arg4[%dma_start3A_174] : memref<1000000xf32, #tpu.memory_space<hbm>> -> memref<1000000xf32, #tpu.memory_space<hbm>>
      tpu.enqueue_indirect_dma source(%dma_start3A_175 : memref<1000000xf32, #tpu.memory_space<hbm>>) target(%dma_start3A_171 : memref<128xf32, #tpu.memory_space<vmem>>) offsets(%dma_start3A_173 : memref<128xi32, #tpu.memory_space<vmem>>) semaphore(%arg10 : memref<!tpu.dma_semaphore, #tpu.memory_space<semaphore_mem>>)
    } else {
    }
    %gt3A_83 = arith.constant 512 : i32
    %gt3A_84 = arith.cmpi sgt, %min3A, %gt3A_83 : i32
    %convert_element_type3A_85 = arith.extui %gt3A_84 : i1 to i32
    %cond3A_86 = arith.constant 0 : i32
    %cond3A_87 = arith.cmpi ne, %convert_element_type3A_85, %cond3A_86 : i32
    scf.if %cond3A_87 {
      %parallel_loop3A = arith.constant 32 : i32
      %parallel_loop3A_169 = arith.constant 40 : i32
      %parallel_loop3A_170 = arith.constant 1 : i32
      scf.for %parallel_loop3A_176 = %parallel_loop3A to %parallel_loop3A_169 step %parallel_loop3A_170  : i32 {
        %parallel_loop3A_177 = arith.constant 16 : i32
        %parallel_loop3A_178 = arith.muli %parallel_loop3A_176, %parallel_loop3A_177 : i32
        %parallel_loop3A_179 = vector.broadcast %parallel_loop3A_178 : i32 to vector<16xi32>
        %parallel_loop3A_180 = arith.addi %parallel_loop3A_179, %iota3A : vector<16xi32>
        %parallel_loop3A_181 = vector.broadcast %sub3A_60 : i32 to vector<16xi32>
        %parallel_loop3A_182 = arith.addi %parallel_loop3A_181, %parallel_loop3A_180 : vector<16xi32>
        %parallel_loop3A_183 = arith.constant 1031 : i32
        %parallel_loop3A_184 = vector.broadcast %parallel_loop3A_183 : i32 to vector<16xi32>
        %parallel_loop3A_185 = arith.minsi %parallel_loop3A_182, %parallel_loop3A_184 : vector<16xi32>
        %parallel_loop3A_186 = tpu.vector_load_idx %arg7[%parallel_loop3A_185] : memref<1032xi32, #tpu.memory_space<vmem>>[vector<16xi32>], vector<16xi32>,
        tpu.vector_store_idx %arg8[%parallel_loop3A_180], %parallel_loop3A_186 : memref<1024xi32, #tpu.memory_space<vmem>>[vector<16xi32>], vector<16xi32>,
      } {sc.loop_unroll_factor = 8 : i64, sc.parallel_access}
      %dma_start3A = arith.constant 512 : i32
      %dma_start3A_171 = tpu.memref_slice %arg9[%dma_start3A] : memref<1024xf32, #tpu.memory_space<vmem>> -> memref<128xf32, #tpu.memory_space<vmem>>
      %dma_start3A_172 = arith.constant 512 : i32
      %dma_start3A_173 = tpu.memref_slice %arg8[%dma_start3A_172] : memref<1024xi32, #tpu.memory_space<vmem>> -> memref<128xi32, #tpu.memory_space<vmem>>
      %dma_start3A_174 = arith.constant 0 : i32
      %dma_start3A_175 = tpu.memref_slice %arg4[%dma_start3A_174] : memref<1000000xf32, #tpu.memory_space<hbm>> -> memref<1000000xf32, #tpu.memory_space<hbm>>
      tpu.enqueue_indirect_dma source(%dma_start3A_175 : memref<1000000xf32, #tpu.memory_space<hbm>>) target(%dma_start3A_171 : memref<128xf32, #tpu.memory_space<vmem>>) offsets(%dma_start3A_173 : memref<128xi32, #tpu.memory_space<vmem>>) semaphore(%arg10 : memref<!tpu.dma_semaphore, #tpu.memory_space<semaphore_mem>>)
    } else {
    }
    %gt3A_88 = arith.constant 640 : i32
    %gt3A_89 = arith.cmpi sgt, %min3A, %gt3A_88 : i32
    %convert_element_type3A_90 = arith.extui %gt3A_89 : i1 to i32
    %cond3A_91 = arith.constant 0 : i32
    %cond3A_92 = arith.cmpi ne, %convert_element_type3A_90, %cond3A_91 : i32
    scf.if %cond3A_92 {
      %parallel_loop3A = arith.constant 40 : i32
      %parallel_loop3A_169 = arith.constant 48 : i32
      %parallel_loop3A_170 = arith.constant 1 : i32
      scf.for %parallel_loop3A_176 = %parallel_loop3A to %parallel_loop3A_169 step %parallel_loop3A_170  : i32 {
        %parallel_loop3A_177 = arith.constant 16 : i32
        %parallel_loop3A_178 = arith.muli %parallel_loop3A_176, %parallel_loop3A_177 : i32
        %parallel_loop3A_179 = vector.broadcast %parallel_loop3A_178 : i32 to vector<16xi32>
        %parallel_loop3A_180 = arith.addi %parallel_loop3A_179, %iota3A : vector<16xi32>
        %parallel_loop3A_181 = vector.broadcast %sub3A_60 : i32 to vector<16xi32>
        %parallel_loop3A_182 = arith.addi %parallel_loop3A_181, %parallel_loop3A_180 : vector<16xi32>
        %parallel_loop3A_183 = arith.constant 1031 : i32
        %parallel_loop3A_184 = vector.broadcast %parallel_loop3A_183 : i32 to vector<16xi32>
        %parallel_loop3A_185 = arith.minsi %parallel_loop3A_182, %parallel_loop3A_184 : vector<16xi32>
        %parallel_loop3A_186 = tpu.vector_load_idx %arg7[%parallel_loop3A_185] : memref<1032xi32, #tpu.memory_space<vmem>>[vector<16xi32>], vector<16xi32>,
        tpu.vector_store_idx %arg8[%parallel_loop3A_180], %parallel_loop3A_186 : memref<1024xi32, #tpu.memory_space<vmem>>[vector<16xi32>], vector<16xi32>,
      } {sc.loop_unroll_factor = 8 : i64, sc.parallel_access}
      %dma_start3A = arith.constant 640 : i32
      %dma_start3A_171 = tpu.memref_slice %arg9[%dma_start3A] : memref<1024xf32, #tpu.memory_space<vmem>> -> memref<128xf32, #tpu.memory_space<vmem>>
      %dma_start3A_172 = arith.constant 640 : i32
      %dma_start3A_173 = tpu.memref_slice %arg8[%dma_start3A_172] : memref<1024xi32, #tpu.memory_space<vmem>> -> memref<128xi32, #tpu.memory_space<vmem>>
      %dma_start3A_174 = arith.constant 0 : i32
      %dma_start3A_175 = tpu.memref_slice %arg4[%dma_start3A_174] : memref<1000000xf32, #tpu.memory_space<hbm>> -> memref<1000000xf32, #tpu.memory_space<hbm>>
      tpu.enqueue_indirect_dma source(%dma_start3A_175 : memref<1000000xf32, #tpu.memory_space<hbm>>) target(%dma_start3A_171 : memref<128xf32, #tpu.memory_space<vmem>>) offsets(%dma_start3A_173 : memref<128xi32, #tpu.memory_space<vmem>>) semaphore(%arg10 : memref<!tpu.dma_semaphore, #tpu.memory_space<semaphore_mem>>)
    } else {
    }
    %gt3A_93 = arith.constant 768 : i32
    %gt3A_94 = arith.cmpi sgt, %min3A, %gt3A_93 : i32
    %convert_element_type3A_95 = arith.extui %gt3A_94 : i1 to i32
    %cond3A_96 = arith.constant 0 : i32
    %cond3A_97 = arith.cmpi ne, %convert_element_type3A_95, %cond3A_96 : i32
    scf.if %cond3A_97 {
      %parallel_loop3A = arith.constant 48 : i32
      %parallel_loop3A_169 = arith.constant 56 : i32
      %parallel_loop3A_170 = arith.constant 1 : i32
      scf.for %parallel_loop3A_176 = %parallel_loop3A to %parallel_loop3A_169 step %parallel_loop3A_170  : i32 {
        %parallel_loop3A_177 = arith.constant 16 : i32
        %parallel_loop3A_178 = arith.muli %parallel_loop3A_176, %parallel_loop3A_177 : i32
        %parallel_loop3A_179 = vector.broadcast %parallel_loop3A_178 : i32 to vector<16xi32>
        %parallel_loop3A_180 = arith.addi %parallel_loop3A_179, %iota3A : vector<16xi32>
        %parallel_loop3A_181 = vector.broadcast %sub3A_60 : i32 to vector<16xi32>
        %parallel_loop3A_182 = arith.addi %parallel_loop3A_181, %parallel_loop3A_180 : vector<16xi32>
        %parallel_loop3A_183 = arith.constant 1031 : i32
        %parallel_loop3A_184 = vector.broadcast %parallel_loop3A_183 : i32 to vector<16xi32>
        %parallel_loop3A_185 = arith.minsi %parallel_loop3A_182, %parallel_loop3A_184 : vector<16xi32>
        %parallel_loop3A_186 = tpu.vector_load_idx %arg7[%parallel_loop3A_185] : memref<1032xi32, #tpu.memory_space<vmem>>[vector<16xi32>], vector<16xi32>,
        tpu.vector_store_idx %arg8[%parallel_loop3A_180], %parallel_loop3A_186 : memref<1024xi32, #tpu.memory_space<vmem>>[vector<16xi32>], vector<16xi32>,
      } {sc.loop_unroll_factor = 8 : i64, sc.parallel_access}
      %dma_start3A = arith.constant 768 : i32
      %dma_start3A_171 = tpu.memref_slice %arg9[%dma_start3A] : memref<1024xf32, #tpu.memory_space<vmem>> -> memref<128xf32, #tpu.memory_space<vmem>>
      %dma_start3A_172 = arith.constant 768 : i32
      %dma_start3A_173 = tpu.memref_slice %arg8[%dma_start3A_172] : memref<1024xi32, #tpu.memory_space<vmem>> -> memref<128xi32, #tpu.memory_space<vmem>>
      %dma_start3A_174 = arith.constant 0 : i32
      %dma_start3A_175 = tpu.memref_slice %arg4[%dma_start3A_174] : memref<1000000xf32, #tpu.memory_space<hbm>> -> memref<1000000xf32, #tpu.memory_space<hbm>>
      tpu.enqueue_indirect_dma source(%dma_start3A_175 : memref<1000000xf32, #tpu.memory_space<hbm>>) target(%dma_start3A_171 : memref<128xf32, #tpu.memory_space<vmem>>) offsets(%dma_start3A_173 : memref<128xi32, #tpu.memory_space<vmem>>) semaphore(%arg10 : memref<!tpu.dma_semaphore, #tpu.memory_space<semaphore_mem>>)
    } else {
    }
    %gt3A_98 = arith.constant 896 : i32
    %gt3A_99 = arith.cmpi sgt, %min3A, %gt3A_98 : i32
    %convert_element_type3A_100 = arith.extui %gt3A_99 : i1 to i32
    %cond3A_101 = arith.constant 0 : i32
    %cond3A_102 = arith.cmpi ne, %convert_element_type3A_100, %cond3A_101 : i32
    scf.if %cond3A_102 {
      %parallel_loop3A = arith.constant 56 : i32
      %parallel_loop3A_169 = arith.constant 64 : i32
      %parallel_loop3A_170 = arith.constant 1 : i32
      scf.for %parallel_loop3A_176 = %parallel_loop3A to %parallel_loop3A_169 step %parallel_loop3A_170  : i32 {
        %parallel_loop3A_177 = arith.constant 16 : i32
        %parallel_loop3A_178 = arith.muli %parallel_loop3A_176, %parallel_loop3A_177 : i32
        %parallel_loop3A_179 = vector.broadcast %parallel_loop3A_178 : i32 to vector<16xi32>
        %parallel_loop3A_180 = arith.addi %parallel_loop3A_179, %iota3A : vector<16xi32>
        %parallel_loop3A_181 = vector.broadcast %sub3A_60 : i32 to vector<16xi32>
        %parallel_loop3A_182 = arith.addi %parallel_loop3A_181, %parallel_loop3A_180 : vector<16xi32>
        %parallel_loop3A_183 = arith.constant 1031 : i32
        %parallel_loop3A_184 = vector.broadcast %parallel_loop3A_183 : i32 to vector<16xi32>
        %parallel_loop3A_185 = arith.minsi %parallel_loop3A_182, %parallel_loop3A_184 : vector<16xi32>
        %parallel_loop3A_186 = tpu.vector_load_idx %arg7[%parallel_loop3A_185] : memref<1032xi32, #tpu.memory_space<vmem>>[vector<16xi32>], vector<16xi32>,
        tpu.vector_store_idx %arg8[%parallel_loop3A_180], %parallel_loop3A_186 : memref<1024xi32, #tpu.memory_space<vmem>>[vector<16xi32>], vector<16xi32>,
      } {sc.loop_unroll_factor = 8 : i64, sc.parallel_access}
      %dma_start3A = arith.constant 896 : i32
      %dma_start3A_171 = tpu.memref_slice %arg9[%dma_start3A] : memref<1024xf32, #tpu.memory_space<vmem>> -> memref<128xf32, #tpu.memory_space<vmem>>
      %dma_start3A_172 = arith.constant 896 : i32
      %dma_start3A_173 = tpu.memref_slice %arg8[%dma_start3A_172] : memref<1024xi32, #tpu.memory_space<vmem>> -> memref<128xi32, #tpu.memory_space<vmem>>
      %dma_start3A_174 = arith.constant 0 : i32
      %dma_start3A_175 = tpu.memref_slice %arg4[%dma_start3A_174] : memref<1000000xf32, #tpu.memory_space<hbm>> -> memref<1000000xf32, #tpu.memory_space<hbm>>
      tpu.enqueue_indirect_dma source(%dma_start3A_175 : memref<1000000xf32, #tpu.memory_space<hbm>>) target(%dma_start3A_171 : memref<128xf32, #tpu.memory_space<vmem>>) offsets(%dma_start3A_173 : memref<128xi32, #tpu.memory_space<vmem>>) semaphore(%arg10 : memref<!tpu.dma_semaphore, #tpu.memory_space<semaphore_mem>>)
    } else {
    }
    %convert_element_type3A_103 = arith.extui %gt3A_64 : i1 to i32
    %cond3A_104 = arith.constant 0 : i32
    %cond3A_105 = arith.cmpi ne, %convert_element_type3A_103, %cond3A_104 : i32
    scf.if %cond3A_105 {
      %dma_wait3A = arith.constant 0 : i32
      %dma_wait3A_169 = tpu.memref_slice %arg9[%dma_wait3A] : memref<1024xf32, #tpu.memory_space<vmem>> -> memref<128xf32, #tpu.memory_space<vmem>>
      %dma_wait3A_170 = arith.constant 0 : i32
      %dma_wait3A_171 = tpu.memref_slice %arg8[%dma_wait3A_170] : memref<1024xi32, #tpu.memory_space<vmem>> -> memref<128xi32, #tpu.memory_space<vmem>>
      %dma_wait3A_172 = arith.constant 0 : i32
      %dma_wait3A_173 = tpu.memref_slice %arg4[%dma_wait3A_172] : memref<1000000xf32, #tpu.memory_space<hbm>> -> memref<1000000xf32, #tpu.memory_space<hbm>>
      tpu.wait_indirect_dma semaphore(%arg10 : memref<!tpu.dma_semaphore, #tpu.memory_space<semaphore_mem>>) src(%dma_wait3A_173 : memref<1000000xf32, #tpu.memory_space<hbm>>) dst(%dma_wait3A_169 : memref<128xf32, #tpu.memory_space<vmem>>)
    } else {
    }
    %convert_element_type3A_106 = arith.extui %gt3A_69 : i1 to i32
    %cond3A_107 = arith.constant 0 : i32
    %cond3A_108 = arith.cmpi ne, %convert_element_type3A_106, %cond3A_107 : i32
    scf.if %cond3A_108 {
      %dma_wait3A = arith.constant 128 : i32
      %dma_wait3A_169 = tpu.memref_slice %arg9[%dma_wait3A] : memref<1024xf32, #tpu.memory_space<vmem>> -> memref<128xf32, #tpu.memory_space<vmem>>
      %dma_wait3A_170 = arith.constant 128 : i32
      %dma_wait3A_171 = tpu.memref_slice %arg8[%dma_wait3A_170] : memref<1024xi32, #tpu.memory_space<vmem>> -> memref<128xi32, #tpu.memory_space<vmem>>
      %dma_wait3A_172 = arith.constant 0 : i32
      %dma_wait3A_173 = tpu.memref_slice %arg4[%dma_wait3A_172] : memref<1000000xf32, #tpu.memory_space<hbm>> -> memref<1000000xf32, #tpu.memory_space<hbm>>
      tpu.wait_indirect_dma semaphore(%arg10 : memref<!tpu.dma_semaphore, #tpu.memory_space<semaphore_mem>>) src(%dma_wait3A_173 : memref<1000000xf32, #tpu.memory_space<hbm>>) dst(%dma_wait3A_169 : memref<128xf32, #tpu.memory_space<vmem>>)
    } else {
    }
    %convert_element_type3A_109 = arith.extui %gt3A_74 : i1 to i32
    %cond3A_110 = arith.constant 0 : i32
    %cond3A_111 = arith.cmpi ne, %convert_element_type3A_109, %cond3A_110 : i32
    scf.if %cond3A_111 {
      %dma_wait3A = arith.constant 256 : i32
      %dma_wait3A_169 = tpu.memref_slice %arg9[%dma_wait3A] : memref<1024xf32, #tpu.memory_space<vmem>> -> memref<128xf32, #tpu.memory_space<vmem>>
      %dma_wait3A_170 = arith.constant 256 : i32
      %dma_wait3A_171 = tpu.memref_slice %arg8[%dma_wait3A_170] : memref<1024xi32, #tpu.memory_space<vmem>> -> memref<128xi32, #tpu.memory_space<vmem>>
      %dma_wait3A_172 = arith.constant 0 : i32
      %dma_wait3A_173 = tpu.memref_slice %arg4[%dma_wait3A_172] : memref<1000000xf32, #tpu.memory_space<hbm>> -> memref<1000000xf32, #tpu.memory_space<hbm>>
      tpu.wait_indirect_dma semaphore(%arg10 : memref<!tpu.dma_semaphore, #tpu.memory_space<semaphore_mem>>) src(%dma_wait3A_173 : memref<1000000xf32, #tpu.memory_space<hbm>>) dst(%dma_wait3A_169 : memref<128xf32, #tpu.memory_space<vmem>>)
    } else {
    }
    %convert_element_type3A_112 = arith.extui %gt3A_79 : i1 to i32
    %cond3A_113 = arith.constant 0 : i32
    %cond3A_114 = arith.cmpi ne, %convert_element_type3A_112, %cond3A_113 : i32
    scf.if %cond3A_114 {
      %dma_wait3A = arith.constant 384 : i32
      %dma_wait3A_169 = tpu.memref_slice %arg9[%dma_wait3A] : memref<1024xf32, #tpu.memory_space<vmem>> -> memref<128xf32, #tpu.memory_space<vmem>>
      %dma_wait3A_170 = arith.constant 384 : i32
      %dma_wait3A_171 = tpu.memref_slice %arg8[%dma_wait3A_170] : memref<1024xi32, #tpu.memory_space<vmem>> -> memref<128xi32, #tpu.memory_space<vmem>>
      %dma_wait3A_172 = arith.constant 0 : i32
      %dma_wait3A_173 = tpu.memref_slice %arg4[%dma_wait3A_172] : memref<1000000xf32, #tpu.memory_space<hbm>> -> memref<1000000xf32, #tpu.memory_space<hbm>>
      tpu.wait_indirect_dma semaphore(%arg10 : memref<!tpu.dma_semaphore, #tpu.memory_space<semaphore_mem>>) src(%dma_wait3A_173 : memref<1000000xf32, #tpu.memory_space<hbm>>) dst(%dma_wait3A_169 : memref<128xf32, #tpu.memory_space<vmem>>)
    } else {
    }
    %convert_element_type3A_115 = arith.extui %gt3A_84 : i1 to i32
    %cond3A_116 = arith.constant 0 : i32
    %cond3A_117 = arith.cmpi ne, %convert_element_type3A_115, %cond3A_116 : i32
    scf.if %cond3A_117 {
      %dma_wait3A = arith.constant 512 : i32
      %dma_wait3A_169 = tpu.memref_slice %arg9[%dma_wait3A] : memref<1024xf32, #tpu.memory_space<vmem>> -> memref<128xf32, #tpu.memory_space<vmem>>
      %dma_wait3A_170 = arith.constant 512 : i32
      %dma_wait3A_171 = tpu.memref_slice %arg8[%dma_wait3A_170] : memref<1024xi32, #tpu.memory_space<vmem>> -> memref<128xi32, #tpu.memory_space<vmem>>
      %dma_wait3A_172 = arith.constant 0 : i32
      %dma_wait3A_173 = tpu.memref_slice %arg4[%dma_wait3A_172] : memref<1000000xf32, #tpu.memory_space<hbm>> -> memref<1000000xf32, #tpu.memory_space<hbm>>
      tpu.wait_indirect_dma semaphore(%arg10 : memref<!tpu.dma_semaphore, #tpu.memory_space<semaphore_mem>>) src(%dma_wait3A_173 : memref<1000000xf32, #tpu.memory_space<hbm>>) dst(%dma_wait3A_169 : memref<128xf32, #tpu.memory_space<vmem>>)
    } else {
    }
    %convert_element_type3A_118 = arith.extui %gt3A_89 : i1 to i32
    %cond3A_119 = arith.constant 0 : i32
    %cond3A_120 = arith.cmpi ne, %convert_element_type3A_118, %cond3A_119 : i32
    scf.if %cond3A_120 {
      %dma_wait3A = arith.constant 640 : i32
      %dma_wait3A_169 = tpu.memref_slice %arg9[%dma_wait3A] : memref<1024xf32, #tpu.memory_space<vmem>> -> memref<128xf32, #tpu.memory_space<vmem>>
      %dma_wait3A_170 = arith.constant 640 : i32
      %dma_wait3A_171 = tpu.memref_slice %arg8[%dma_wait3A_170] : memref<1024xi32, #tpu.memory_space<vmem>> -> memref<128xi32, #tpu.memory_space<vmem>>
      %dma_wait3A_172 = arith.constant 0 : i32
      %dma_wait3A_173 = tpu.memref_slice %arg4[%dma_wait3A_172] : memref<1000000xf32, #tpu.memory_space<hbm>> -> memref<1000000xf32, #tpu.memory_space<hbm>>
      tpu.wait_indirect_dma semaphore(%arg10 : memref<!tpu.dma_semaphore, #tpu.memory_space<semaphore_mem>>) src(%dma_wait3A_173 : memref<1000000xf32, #tpu.memory_space<hbm>>) dst(%dma_wait3A_169 : memref<128xf32, #tpu.memory_space<vmem>>)
    } else {
    }
    %convert_element_type3A_121 = arith.extui %gt3A_94 : i1 to i32
    %cond3A_122 = arith.constant 0 : i32
    %cond3A_123 = arith.cmpi ne, %convert_element_type3A_121, %cond3A_122 : i32
    scf.if %cond3A_123 {
      %dma_wait3A = arith.constant 768 : i32
      %dma_wait3A_169 = tpu.memref_slice %arg9[%dma_wait3A] : memref<1024xf32, #tpu.memory_space<vmem>> -> memref<128xf32, #tpu.memory_space<vmem>>
      %dma_wait3A_170 = arith.constant 768 : i32
      %dma_wait3A_171 = tpu.memref_slice %arg8[%dma_wait3A_170] : memref<1024xi32, #tpu.memory_space<vmem>> -> memref<128xi32, #tpu.memory_space<vmem>>
      %dma_wait3A_172 = arith.constant 0 : i32
      %dma_wait3A_173 = tpu.memref_slice %arg4[%dma_wait3A_172] : memref<1000000xf32, #tpu.memory_space<hbm>> -> memref<1000000xf32, #tpu.memory_space<hbm>>
      tpu.wait_indirect_dma semaphore(%arg10 : memref<!tpu.dma_semaphore, #tpu.memory_space<semaphore_mem>>) src(%dma_wait3A_173 : memref<1000000xf32, #tpu.memory_space<hbm>>) dst(%dma_wait3A_169 : memref<128xf32, #tpu.memory_space<vmem>>)
    } else {
    }
    %convert_element_type3A_124 = arith.extui %gt3A_99 : i1 to i32
    %cond3A_125 = arith.constant 0 : i32
    %cond3A_126 = arith.cmpi ne, %convert_element_type3A_124, %cond3A_125 : i32
    scf.if %cond3A_126 {
      %dma_wait3A = arith.constant 896 : i32
      %dma_wait3A_169 = tpu.memref_slice %arg9[%dma_wait3A] : memref<1024xf32, #tpu.memory_space<vmem>> -> memref<128xf32, #tpu.memory_space<vmem>>
      %dma_wait3A_170 = arith.constant 896 : i32
      %dma_wait3A_171 = tpu.memref_slice %arg8[%dma_wait3A_170] : memref<1024xi32, #tpu.memory_space<vmem>> -> memref<128xi32, #tpu.memory_space<vmem>>
      %dma_wait3A_172 = arith.constant 0 : i32
      %dma_wait3A_173 = tpu.memref_slice %arg4[%dma_wait3A_172] : memref<1000000xf32, #tpu.memory_space<hbm>> -> memref<1000000xf32, #tpu.memory_space<hbm>>
      tpu.wait_indirect_dma semaphore(%arg10 : memref<!tpu.dma_semaphore, #tpu.memory_space<semaphore_mem>>) src(%dma_wait3A_173 : memref<1000000xf32, #tpu.memory_space<hbm>>) dst(%dma_wait3A_169 : memref<128xf32, #tpu.memory_space<vmem>>)
    } else {
    }
    %jit3A_127 = arith.constant 16 : i32
    %div3A_128 = arith.divsi %min3A, %jit3A_127 : i32
    %sign3A_129 = arith.constant 0 : i32
    %sign3A_130 = arith.cmpi sgt, %min3A, %sign3A_129 : i32
    %sign3A_131 = arith.extui %sign3A_130 : i1 to i32
    %sign3A_132 = arith.constant 0 : i32
    %sign3A_133 = arith.cmpi slt, %min3A, %sign3A_132 : i32
    %sign3A_134 = arith.extui %sign3A_133 : i1 to i32
    %sign3A_135 = arith.subi %sign3A_131, %sign3A_134 : i32
    %sign3A_136 = arith.constant 0 : i32
    %sign3A_137 = arith.cmpi sgt, %jit3A_127, %sign3A_136 : i32
    %sign3A_138 = arith.extui %sign3A_137 : i1 to i32
    %sign3A_139 = arith.constant 0 : i32
    %sign3A_140 = arith.cmpi slt, %jit3A_127, %sign3A_139 : i32
    %sign3A_141 = arith.extui %sign3A_140 : i1 to i32
    %sign3A_142 = arith.subi %sign3A_138, %sign3A_141 : i32
    %ne3A_143 = arith.cmpi ne, %sign3A_135, %sign3A_142 : i32
    %rem3A_144 = arith.remsi %min3A, %jit3A_127 : i32
    %ne3A_145 = arith.constant 0 : i32
    %ne3A_146 = arith.cmpi ne, %rem3A_144, %ne3A_145 : i32
    %and3A_147 = arith.andi %ne3A_143, %ne3A_146 : i1
    %sub3A_148 = arith.constant 1 : i32
    %sub3A_149 = arith.subi %div3A_128, %sub3A_148 : i32
    %select_n3A_150 = arith.select %and3A_147, %sub3A_149, %div3A_128 : i32
    %lt3A_151 = arith.constant 64 : i32
    %lt3A_152 = arith.cmpi slt, %select_n3A_150, %lt3A_151 : i32
    %convert_element_type3A_153 = arith.extui %lt3A_152 : i1 to i32
    %cond3A_154 = arith.constant 0 : i32
    %cond3A_155 = arith.cmpi ne, %convert_element_type3A_153, %cond3A_154 : i32
    scf.if %cond3A_155 {
      %mul3A_169 = arith.constant 16 : i32
      %mul3A_170 = arith.muli %select_n3A_150, %mul3A_169 : i32
      %add3A_171 = vector.broadcast %mul3A_170 : i32 to vector<16xi32>
      %add3A_172 = arith.addi %add3A_171, %iota3A : vector<16xi32>
      %gather3A_173 = tpu.vector_load_idx %arg9[%add3A_172] : memref<1024xf32, #tpu.memory_space<vmem>>[vector<16xi32>], vector<16xf32>,
      %add3A_174 = vector.broadcast %add3A_52 : i32 to vector<16xi32>
      %add3A_175 = arith.addi %add3A_174, %add3A_172 : vector<16xi32>
      %lt3A_176 = arith.cmpi slt, %add3A_175, %gather3A_43 : vector<16xi32>
      %jit3A_177 = arith.constant 0.000000e+00 : f32
      %broadcast_in_dim3A_178 = vector.broadcast %jit3A_177 : f32 to vector<16xf32>
      %select_n3A_179 = arith.select %lt3A_176, %gather3A_173, %broadcast_in_dim3A_178 : vector<16xi1>, vector<16xf32>
      tpu.vector_store_idx %arg9[%add3A_172], %select_n3A_179 : memref<1024xf32, #tpu.memory_space<vmem>>[vector<16xi32>], vector<16xf32>,
    } else {
    }
    %broadcast_in_dim3A_156 = arith.constant 0.000000e+00 : f32
    %broadcast_in_dim3A_157 = vector.broadcast %broadcast_in_dim3A_156 : f32 to vector<16xf32>
    %add3A_158 = arith.constant 1 : i32
    %add3A_159 = arith.addi %select_n3A_150, %add3A_158 : i32
    %while3A = arith.constant 0 : i32
    %while3A_160 = arith.constant 64 : i32
    %while3A_161 = arith.subi %while3A_160, %add3A_159 : i32
    %while3A_162 = arith.addi %add3A_159, %while3A_161 : i32
    %while3A_163 = arith.constant 1 : i32
    %while3A_164 = arith.divsi %while3A_161, %while3A_163 : i32
    %while3A_165 = arith.muli %while3A_164, %while3A_163 : i32
    %while3A_166 = arith.addi %add3A_159, %while3A_165 : i32
    %while3A_167 = arith.constant 1 : i32
    scf.for %while3A_169 = %add3A_159 to %while3A_166 step %while3A_167  : i32 {
      %mul3A_170 = arith.constant 16 : i32
      %mul3A_171 = arith.muli %while3A_169, %mul3A_170 : i32
      %add3A_172 = vector.broadcast %mul3A_171 : i32 to vector<16xi32>
      %add3A_173 = arith.addi %add3A_172, %iota3A : vector<16xi32>
      tpu.vector_store_idx %arg9[%add3A_173], %broadcast_in_dim3A_157 : memref<1024xf32, #tpu.memory_space<vmem>>[vector<16xi32>], vector<16xf32>,
    }
    %while3A_168 = arith.constant 1 : i32
    scf.for %while3A_169 = %while3A_166 to %while3A_162 step %while3A_168  : i32 {
      %mul3A_170 = arith.constant 16 : i32
      %mul3A_171 = arith.muli %while3A_169, %mul3A_170 : i32
      %add3A_172 = vector.broadcast %mul3A_171 : i32 to vector<16xi32>
      %add3A_173 = arith.addi %add3A_172, %iota3A : vector<16xi32>
      tpu.vector_store_idx %arg9[%add3A_173], %broadcast_in_dim3A_157 : memref<1024xf32, #tpu.memory_space<vmem>>[vector<16xi32>], vector<16xf32>,
    }
    "tpu.region"() ({
      %run_scoped3A = tpu.sem_alloc : memref<!tpu.dma_semaphore, #tpu.memory_space<semaphore_mem>>
      %dma_start3A = arith.constant 0 : i32
      %dma_start3A_169 = tpu.memref_slice %arg5[%select_n3A, %select_n3A_30, %dma_start3A] : memref<16x2x1024xf32, #tpu.memory_space<hbm>> -> memref<1x1x1024xf32, #tpu.memory_space<hbm>>
      %dma_start3A_170 = tpu.memref_squeeze %dma_start3A_169 : memref<1x1x1024xf32, #tpu.memory_space<hbm>> -> memref<1024xf32, #tpu.memory_space<hbm>>
      %dma_start3A_171 = arith.constant 0 : i32
      %dma_start3A_172 = tpu.memref_slice %arg5[%select_n3A, %select_n3A_30, %dma_start3A_171] : memref<16x2x1024xf32, #tpu.memory_space<hbm>> -> memref<1x1x1024xf32, #tpu.memory_space<hbm>>
      %dma_start3A_173 = tpu.memref_squeeze %dma_start3A_172 : memref<1x1x1024xf32, #tpu.memory_space<hbm>> -> memref<1024xf32, #tpu.memory_space<hbm>>
      tpu.enqueue_dma source(%arg9 : memref<1024xf32, #tpu.memory_space<vmem>>) target(%dma_start3A_173 : memref<1024xf32, #tpu.memory_space<hbm>>) target_semaphore(%run_scoped3A : memref<!tpu.dma_semaphore, #tpu.memory_space<semaphore_mem>>)
      %dma_wait3A = arith.constant 0 : i32
      %dma_wait3A_174 = tpu.memref_slice %arg5[%select_n3A, %select_n3A_30, %dma_wait3A] : memref<16x2x1024xf32, #tpu.memory_space<hbm>> -> memref<1x1x1024xf32, #tpu.memory_space<hbm>>
      %dma_wait3A_175 = tpu.memref_squeeze %dma_wait3A_174 : memref<1x1x1024xf32, #tpu.memory_space<hbm>> -> memref<1024xf32, #tpu.memory_space<hbm>>
      %dma_wait3A_176 = arith.constant 0 : i32
      %dma_wait3A_177 = tpu.memref_slice %arg5[%select_n3A, %select_n3A_30, %dma_wait3A_176] : memref<16x2x1024xf32, #tpu.memory_space<hbm>> -> memref<1x1x1024xf32, #tpu.memory_space<hbm>>
      %dma_wait3A_178 = tpu.memref_squeeze %dma_wait3A_177 : memref<1x1x1024xf32, #tpu.memory_space<hbm>> -> memref<1024xf32, #tpu.memory_space<hbm>>
      tpu.wait_dma2 semaphore(%run_scoped3A : memref<!tpu.dma_semaphore, #tpu.memory_space<semaphore_mem>>) src(%arg9 : memref<1024xf32, #tpu.memory_space<vmem>>) dst(%dma_wait3A_178 : memref<1024xf32, #tpu.memory_space<hbm>>)
      tpu.yield
    }) : () -> ()
    return
  }
}

</mosaic_0001>

<sc_bundles>
// kernel: kernel.3.cloned.1.call-start
scs
__scs_entry_jumppad:
0x0: {  	(pc) =	sbr.rel $0x88, $3  }
0x1: {  	(tag) =	ssettag $0x0;
	lr =	simm.s32 $0x1  }
0x2: {  	[smem:$0x3F9E] =	sst lr;
	_ =	strace $0xD0000000  }
0x3: {  	_ = 	snop  }
0x4: {  	_ = 	snop  }
0x5: {  	_ = 	snop  }
0x6: {  	_ = 	snop  }
0x7: {  	_ = 	snop  }
__scs_overlays_trampoline_lowered:
0x8: {  	[smem:$0x3FAD] =	sst s0  }
0x9: {  	[smem:$0x3FAE] =	sst s1  }
0xa: {  	[smem:$0x3FAF] =	sst s2  }
0xb: {  	[smem:$0x3FB0] =	sst s3  }
0xc: {  	[smem:$0x3FB1] =	sst s4  }
0xd: {  	[smem:$0x3FB2] =	sst s5  }
0xe: {  	[smem:$0x3FB3] =	sst s6  }
0xf: {  	[smem:$0x3FB4] =	sst s7  }
0x10: {  	[smem:$0x3FB5] =	sst s8  }
0x11: {  	[smem:$0x3FB6] =	sst s9;
	s0 =	simm.s32 @!p0 $0x0  }
0x12: {  	s1 =	sld [smem:$0x3F9C];
	s0 =	simm.s32 @p0 $0x1  }
0x13: {  	[smem:$0x3FB7] =	sst s0;
	s0 =	simm.s32 @!p1 $0x0  }
0x14: {  	s2 =	sld [smem:$0x3F9B];
	s0 =	simm.s32 @p1 $0x1  }
0x15: {  	[smem:$0x3FB8] =	sst s0;
	s0 =	simm.s32 @!p2 $0x0  }
0x16: {  	s3 =	sld [smem:$0x3FDB];
	s0 =	simm.s32 @p2 $0x1  }
0x17: {  	s4 =	simm.s32 $0x1BF5;
	[smem:$0x3FBA] =	sst s0  }
0x18: {  	s0 =	sld [smem:$0x3F9D];
	_ =	swait.ge [sflag:s4], $0x0  }
0x19: {  	s7 =	sld [smem:$0x3F9E]  }
0x1a: {  	s8 =	sadd.s32 $0xFFFFE003, lr  }
0x1b: {  	s9 =	sadd.s32 $0xFFFFFEF7, lr;
	s5 =	simm.s32 $0xFFFFFFFF;
	p2 =	slt.u32 s8, $0xFFFFF086  }
0x1c: {  	p1 =	slt.u32 s9, $0xF7A;
	s5 =	simm.s32 @!p2 $0x0  }
0x1d: {  	s5 =	simm.s32 @p1 $0x1;
	p0 =	seq.s32 s7, s2  }
0x1e: {  	s7 =	smul.u32 @!p0 $0xF7A, s2;
	p2 =	seq.s32 @!p0 s5, $0x0  }
0x1f: {  	s9 =	smul.u32 $0xF7A, s1;
	s8 =	simm.s32 @!p0 $0x1BF5;
	p2 =	por !p2, p0  }
0x20: {  	[sflag:s8] =	ssyncset.s32 @!p0 $0xFFFFF086;
	s6 =	sadd.s32 @!p0 s3, s7;
	s7 =	simm.s32 @!p0 $0x108  }
0x21: {  	s3 =	sadd.s32 s3, s9;
	s6 =	sadd.s32 @!p0 $0x88, s6;
	s7 =	simm.s32 @p2 $0x1082  }
0x22: {  	[simem:s7], [sflag:s8] =	dma.local @!p0 [hbm:s6], $0xF7A  }
0x23: {  	s9 =	sor.u32 $0xD0000000, s2;
	s6 =	simm.s32 $0x108;
	_ =	swait.ge @!p0 [sflag:s8], $0x0  }
0x24: {  	s3 =	sadd.s32 $0x88, s3;
	s6 =	simm.s32 @!p1 $0x1082;
	[sflag:s4] =	ssyncset.s32 $0xFFFFF086  }
0x25: {  	[simem:s6], [sflag:s4] =	dma.local [hbm:s3], $0xF7A  }
0x26: {  	[smem:$0x3F9E] =	sst s1;
	(tag) =	ssettag s2;
	_ =	strace s9  }
0x27: {  	s1 =	sld [smem:$0x3FAE]  }
0x28: {  	s2 =	sld [smem:$0x3FAF]  }
0x29: {  	s4 =	sld [smem:$0x3FB1]  }
0x2a: {  	p0 =	seq.s32 s5, $0x0;
	s5 =	sld [smem:$0x3FB2]  }
0x2b: {  	s6 =	sld [smem:$0x3FB3]  }
0x2c: {  	s7 =	sld [smem:$0x3FB4]  }
0x2d: {  	s3 =	simm.s32 $0x108;
	s8 =	sld [smem:$0x3FB5]  }
0x2e: {  	s3 =	simm.s32 @!p0 $0x1082;
	s9 =	sld [smem:$0x3FB6]  }
0x2f: {  	lr =	sadd.s32 s0, s3;
	s0 =	sld [smem:$0x3FAD]  }
0x30: {  	s3 =	sld [smem:$0x3FB0]  }
0x31: {  	[smem:$0x3FB9] =	sst s10  }
0x32: {  	s10 =	sld [smem:$0x3FB7];
	_ =	sdelay $0x3  }
0x33: {  	p0 =	seq.s32 s10, $0x1;
	s10 =	sld [smem:$0x3FB9];
	_ =	sdelay $0x3  }
0x34: {  	[smem:$0x3FB9] =	sst s10  }
0x35: {  	s10 =	sld [smem:$0x3FB8];
	_ =	sdelay $0x3  }
0x36: {  	p1 =	seq.s32 s10, $0x1;
	s10 =	sld [smem:$0x3FB9];
	_ =	sdelay $0x3  }
0x37: {  	[smem:$0x3FB9] =	sst s10  }
0x38: {  	s10 =	sld [smem:$0x3FBA]  }
0x39: {  	_ = 	snop;
	(pc) =	sbr.ind lr, $3  }
0x3a: {  	_ = 	snop  }
0x3b: {  	_ = 	snop  }
0x3c: {  	p2 =	seq.s32 s10, $0x1;
	s10 =	sld [smem:$0x3FB9]  }
0x3d: {  	_ =	shalt  }
0x3e: {  	_ =	shalt  }
0x3f: {  	_ =	shalt  }
0x40: {  	_ =	shalt  }
0x41: {  	_ =	shalt  }
0x42: {  	_ =	shalt  }
0x43: {  	_ =	shalt  }
0x44: {  	_ =	shalt  }
0x45: {  	_ =	shalt  }
0x46: {  	_ =	shalt  }
0x47: {  	_ =	shalt  }
0x48: {  	_ =	shalt  }
0x49: {  	_ =	shalt  }
0x4a: {  	_ =	shalt  }
0x4b: {  	_ =	shalt  }
0x4c: {  	_ =	shalt  }
0x4d: {  	_ =	shalt  }
0x4e: {  	_ =	shalt  }
0x4f: {  	_ =	shalt  }
0x50: {  	_ =	shalt  }
0x51: {  	_ =	shalt  }
0x52: {  	_ =	shalt  }
0x53: {  	_ =	shalt  }
0x54: {  	_ =	shalt  }
0x55: {  	_ =	shalt  }
0x56: {  	_ =	shalt  }
0x57: {  	_ =	shalt  }
0x58: {  	_ =	shalt  }
0x59: {  	_ =	shalt  }
0x5a: {  	_ =	shalt  }
0x5b: {  	_ =	shalt  }
0x5c: {  	_ =	shalt  }
0x5d: {  	_ =	shalt  }
0x5e: {  	_ =	shalt  }
0x5f: {  	_ =	shalt  }
0x60: {  	_ =	shalt  }
0x61: {  	_ =	shalt  }
0x62: {  	_ =	shalt  }
0x63: {  	_ =	shalt  }
0x64: {  	_ =	shalt  }
0x65: {  	_ =	shalt  }
0x66: {  	_ =	shalt  }
0x67: {  	_ =	shalt  }
0x68: {  	_ =	shalt  }
0x69: {  	_ =	shalt  }
0x6a: {  	_ =	shalt  }
0x6b: {  	_ =	shalt  }
0x6c: {  	_ =	shalt  }
0x6d: {  	_ =	shalt  }
0x6e: {  	_ =	shalt  }
0x6f: {  	_ =	shalt  }
0x70: {  	_ =	shalt  }
0x71: {  	_ =	shalt  }
0x72: {  	_ =	shalt  }
0x73: {  	_ =	shalt  }
0x74: {  	_ =	shalt  }
0x75: {  	_ =	shalt  }
0x76: {  	_ =	shalt  }
0x77: {  	_ =	shalt  }
0x78: {  	_ =	shalt  }
0x79: {  	_ =	shalt  }
0x7a: {  	_ =	shalt  }
0x7b: {  	_ =	shalt  }
0x7c: {  	_ =	shalt  }
0x7d: {  	_ =	shalt  }
0x7e: {  	_ =	shalt  }
0x7f: {  	_ =	shalt  }
0x80: {  	_ =	shalt  }
0x81: {  	_ =	shalt  }
0x82: {  	_ =	shalt  }
0x83: {  	_ =	shalt  }
0x84: {  	_ =	shalt  }
0x85: {  	_ =	shalt  }
0x86: {  	_ =	shalt  }
0x87: {  	_ =	shalt  }
.Lfunc_end0:
.L_simem_size_0:
called_computation_lowered:
.L_overlay_start_0:
0x88: {  	s2 =	sld [smem:$0x3FD9]  }
0x89: {  	s3 =	sld [smem:$0x3FFE];
	_ =	sdelay $0x1  }
0x8a: {  	s1 =	srdreg.scid  }
0x8b: {  	s0 =	sand.u32 $0x1, s1  }
0x8c: {  	s17 =	sshll.u32 s0, $0xA;
	s2 =	sadd.s32 s3, s2  }
0x8d: {  	s2 =	sadd.s32 s2, s17  }
0x8e: {  	[smem:$0x3FC5] =	sst s2  }
0x8f: {  	_ = 	snop  }
0x90: {  	s2 =	sld [smem:$0x3FC9]  }
0x91: {  	s18 =	sld [smem:$0x3FC8]  }
0x92: {  	s4 =	sld [smem:$0x3FC7];
	(tm) =	ssettm $0x1  }
0x93: {  	s5 =	sld [smem:$0x3FFB];
	_ =	sdelay $0x3  }
0x94: {  	_ =	strace s5  }
0x95: {  	s5 =	sld [smem:$0x3FFC];
	_ =	sdelay $0x3  }
0x96: {  	_ =	strace s5  }
0x97: {  	s5 =	sld [smem:$0x3FFD];
	_ =	sdelay $0x3  }
0x98: {  	_ =	strace s5  }
0x99: {  	_ =	strace $0x8FFFFFFF  }
0x9a: {  	s19 =	sld [smem:$0x3FDB];
	_ =	sdelay $0x1  }
0x9b: {  	s6 =	simm.s32 $_scs_section_size  }
0x9c: {  	s7 =	simm.s32 $_size__tile_overlayer_lowered;
	s8 =	simm.s32 $_tile_overlayer_lowered  }
0x9d: {  	s22 =	simm.s32 $0x1BFF;
	s21 =	sshll.u32 s8, $0x1;
	s5 =	sadd.s32 s6, s19  }
0x9e: {  	s9 =	simm.s32 $0x0;
	s20 =	sshll.u32 s7, $0x1;
	s7 =	sadd.s32 s21, s5  }
0x9f: {  	[timem:s9], [sflag:s22] =	dma.local [hbm:s7], s20  }
0xa0: {  	_ =	swait.ge [sflag:s22], s20  }
0xa1: {  	s6 =	ssub.s32 $0x0, s20;
	[sflag:s22] =	ssyncset.done $0x0  }
0xa2: {  	[sflag:s22] =	ssyncadd.s32 s6;
	_ =	sdelay $0x1  }
0xa3: {  	s23 =	simm.s32 $0x1B8B  }
0xa4: {  	_ =	swait.ge [sflag:s23], $0x1  }
0xa5: {  	[sflag:s23] =	ssyncset.done $0x0  }
0xa6: {  	s25 =	simm.s32 $0x1B8E;
	s24 =	sld [smem:$0x3FFE];
	[sflag:s23] =	ssyncadd.s32 $0xFFFFFFFF  }
0xa7: {  	s26 =	simm.s32 $execute0_lowered;
	[smem:$0x3FD2] =	sst s25  }
0xa8: {  	s7 =	sshll.u32 s26, $0x1;
	_ =	strace $0x80000046;
	[dreg:$0x1] =	wrdreg $0xFFFFFFFF  }
0xa9: {  	s28 =	simm.s32 $_size_execute0_lowered;
	s5 =	sadd.s32 s5, s7;
	[dreg:$0x0] =	wrdreg $0x0  }
0xaa: {  	s7 =	sshll.u32 s28, $0x1;
	[dreg:$0x2] =	wrdreg s5  }
0xab: {  	[dreg:$0x3] =	wrdreg s7  }
0xac: {  	[dreg:$0x4] =	wrdreg $0xC0  }
0xad: {  	_ =	task [dreg:s9], $0x5FFFF  }
0xae: {  	[dreg:$0x1] =	wrdreg $0xFFFFFFFF  }
0xaf: {  	[dreg:$0x0] =	wrdreg $0x60  }
0xb0: {  	[dreg:$0x2] =	wrdreg s2  }
0xb1: {  	[dreg:$0x3] =	wrdreg s18  }
0xb2: {  	[dreg:$0x4] =	wrdreg s4  }
0xb3: {  	[dreg:$0x5] =	wrdreg s24  }
0xb4: {  	[dreg:$0x6] =	wrdreg $0x9  }
0xb5: {  	_ =	task.clear_ibuf [dreg:s9], $0x7FFFF;
	_ =	strace $0x90000046  }
0xb6: {  	s29 =	simm.s32 $0x9;
	_ =	strace $0x80000048  }
0xb7: {  	_ =	swait.ge [sflag:s29], $0x1  }
0xb8: {  	[sflag:s29] =	ssyncadd.s32 $0xFFFFFFFF  }
0xb9: {  	_ =	strace $0x90000048  }
0xba: {  	_ =	sfence  }
0xbb: {  	s30 =	sld [smem:$0x0];
	_ =	sdelay $0x2  }
0xbc: {  	s31 =	sshll.u32 s1, $0xD;
	s1 =	sshrl.u32 s1, $0x2  }
0xbd: {  	s3 =	sand.u32 $0x4000, s31;
	s1 =	sadd.s32 s1, s30  }
0xbe: {  	s0 =	sor.u32 s3, s0;
	s1 =	sshll.u32 s1, $0x11  }
0xbf: {  	s0 =	sor.u32 s1, s0  }
0xc0: {  	s0 =	sadd.s32 $0x8F2B, s0  }
0xc1: {  	[sflag:s0] =	ssyncadd.remote.s32 $0x1  }
0xc2: {  	_ =	sfence.sel $0xFFFF  }
0xc3: {  	[dreg:$0x0] =	wrdreg $0xFFFFFFFF;
	(pc) =	sbr.abs _section_cstart, $3  }
0xc4: {  	[dreg:$0x1] =	wrdreg $0xFFFFFFFF  }
0xc5: {  	_ =	task.clear_ibuf [dreg:s9], $0x2FFFF;
	_ =	strace $0x9FFFFFFF  }
0xc6: {  	(tm) =	ssettm $0x7FFFFFFF  }
0xc7: {  	_ =	shalt  }
tec
execute0_lowered:
.L_overlay_start_1:
0x0: {  	(tag) =	ssettag $0x1  }
0x1: {  	s1 =	srdreg.scid;
	s4 =	rddreg [dreg:$0x2]  }
0x2: {  	s0 =	stileid.u32;
	s5 =	simm.s32 $0x1;
	s8 =	rddreg [dreg:$0x3]  }
0x3: {  	s3 =	rddreg [dreg:$0x4];
	s12 =	simm.s32 $0x18;
	s7 =	sand.u32 $0x1, s1  }
0x4: {  	s13 =	simm.s32 $0x420;
	s14 =	simm.s32 $0x80;
	s2 =	sor.u32 s7, s0  }
0x5: {  	s15 =	simm.s32 $0x4A0;
	p1 =	seq.s32 s7, $0x1;
	p0 =	seq.s32 s2, $0x0  }
0x6: {  	s16 =	simm.s32 $0x8A0;
	s17 =	simm.s32 $0x720;
	p0 =	por !p0, !p1  }
0x7: {  	s18 =	simm.s32 $0xB20;
	s19 =	simm.s32 $0x0;
	p0 =	por !p0, !p0  }
0x8: {  	v2 =	vlaneseq.u32;
	s1 =	rddreg [dreg:$0x0];
	s6 =	sshll.u32 s7, $0xA;
	s5 =	simm.s32 @!p0 $0x0  }
0x9: {  	v3 =	vimm.f32 $0.0e+00;
	v4 =	vor.u32 $0x10, v2;
	v5 =	vor.u32 $0x20, v2;
	s11 =	ssub.s32 $0x2, s7;
	s7 =	simm.s32 $0x1;
	s9 =	ssub.s32 s0, s5  }
.Ltmp0:
0xa: {  	v6 =	vor.u32 $0x30, v2;
	v7 =	vor.u32 $0x40, v2;
	v8 =	vor.u32 $0x50, v2;
	s30 =	sshrl.u32 s11, $0x1;
	s10 =	sshll.u32 s9, $0xB;
	(pc) =	sbr.rel .LBB2_1-.Ltmp0, $4  }
0xb: {  	v9 =	vor.u32 $0x60, v2;
	v10 =	vor.u32 $0x70, v2;
	v11 =	vor.u32 $0x80, v2;
	s2 =	rddreg [dreg:$0x1];
	s31 =	ssub.s32 s11, s30;
	s10 =	sor.u32 s6, s10  }
0xc: {  	v12 =	vor.u32 $0x90, v2;
	v13 =	vor.u32 $0xA0, v2;
	v14 =	vor.u32 $0xB0, v2;
	s11 =	simm.s32 $0x820;
	s5 =	simm.s32 $0x0;
	s29 =	sshrl.u32 s10, $0x3  }
0xd: {  	v15 =	vor.u32 $0xC0, v2;
	v16 =	vor.u32 $0xD0, v2;
	[smem:$0x7FF] =	sst s5;
	v0 =	vmov s9;
	s9 =	smax.u32 s31, $0x1;
	s8 =	sadd.s32 s29, s8  }
0xe: {  	v17 =	vor.u32 $0xE0, v2;
	v18 =	vor.u32 $0xF0, v2;
	_ =	strace $0x80000047;
	v1 =	vadd.s32 $0x1, v0;
	s10 =	simm.s32 $0x2;
	s8 =	sadd.s32 $0x400, s8  }
.LBB2_21:
0xf: {  	_ =	sdelay $0x3  }
0x10: {  	[tilespmem:v19+s11+$0x0] =	vst.idx.msk $0xffff, v3  }
.LBB2_22:
0x11: {  	s19 =	sadd.s32 $0x1, s19  }
0x12: {  	p0 =	sne.s32 s19, s9  }
.Ltmp1:
0x13: {  	_ = 	snop;
	(pc) =	sbr.rel @!p0 .LBB2_23-.Ltmp1, $4  }
0x14: {  	[hbm4b:s8+s5] =	stream.linear.scatter [tilespmem:s11], [sflag:$0x2], $0x400, $0x38;
	[tilespmem:$0xC20] =	vst v63  }
0x15: {  	_ =	swait.ge [sflag:s10], $0x400  }
0x16: {  	[sflag:s10] =	ssyncset.done $0x0  }
0x17: {  	[sflag:s10] =	ssyncadd.s32 $0xFFFFFC00  }
.LBB2_1:
0x18: {  	[tilespmem:s5], [sflag:$0x2] =	stream.linear.gather [hbm4b:s2+s5], $0x18, $0x38;
	[tilespmem:$0xC20] =	vst v63  }
0x19: {  	_ =	swait.ge [sflag:s10], $0x18  }
0x1a: {  	[sflag:s10] =	ssyncset.done $0x0  }
0x1b: {  	[sflag:s10] =	ssyncadd.s32 $0xFFFFFFE8  }
0x1c: {  	v20 =	vld.idx.msk [tilespmem:v0+s5+$0x0], $0xffff  }
0x1d: {  	v19 =	vld.idx.msk [tilespmem:v1+s5+$0x0], $0xffff;
	_ =	sdelay $0x3  }
0x1e: {  	v20 =	vxor.u32 $0x80000000, v20  }
0x1f: {  	(xrf0) =	vmax.scan.msk.u32 $0xffff, v20;
	v20 =	vxor.u32 $0x80000000, v19  }
0x20: {  	(xrf0) =	vmax.scan.msk.u32 $0xffff, v20;
	_ =	sdelay $0x4  }
0x21: {  	v20, _, _ =	vpop (xrf0)  }
0x22: {  	(v2sf) =	vpush v20, $0xF;
	v20, _, _ =	vpop (xrf0)  }
0x23: {  	(v2sf) =	vpush v20, $0xF;
	_ =	sdelay $0xd  }
0x24: {  	s20 =	spop (v2sf)  }
0x25: {  	s21 =	spop (v2sf);
	s20 =	sadd.s32 s20, s6  }
0x26: {  	s21 =	sxor.u32 $0x80000000, s21;
	s20 =	sadd.s32 $0x80000000, s20  }
0x27: {  	s21 =	ssub.s32 s21, s20  }
0x28: {  	p1 =	slt.s32 s21, $0x1  }
.Ltmp2:
0x29: {  	_ = 	snop;
	(pc) =	sbr.rel @p1 .LBB2_18-.Ltmp2, $1  }
0x2a: {  	_ =	sdelay $0x3  }
0x2b: {  	s23 =	sand.u32 $0xFFFFFFF8, s20  }
0x2c: {  	p0 =	slt.s32 s23, $0x7BF8  }
0x2d: {  	s23 =	simm.s32 @!p0 $0x7BF8  }
0x2e: {  	s22 =	ssub.s32 s20, s23  }
0x2f: {  	v20 =	vadd.s32 s22, v2  }
0x30: {  	s23 =	sshrl.u32 s23, $0x3;
	v21 =	vadd.s32 s22, v4;
	vm0 =	vlt.s32 v20, $0x407  }
0x31: {  	s23 =	sadd.s32 s1, s23;
	v22 =	vadd.s32 s22, v5;
	vm9 =	vlt.s32 v21, $0x407;
	v20 =	vnsel vm0, $0x407, v20  }
0x32: {  	v23 =	vadd.s32 s22, v6;
	[tilespmem:s12], [sflag:$0x2] =	stream.linear.gather [hbm4b:s23+s5], $0x408, $0x38;
	vm10 =	vlt.s32 v22, $0x407;
	v21 =	vnsel vm9, $0x407, v21;
	[tilespmem:$0xC20] =	vst v63  }
0x33: {  	v24 =	vadd.s32 s22, v7;
	vm11 =	vlt.s32 v23, $0x407;
	_ =	swait.ge [sflag:s10], $0x408;
	v22 =	vnsel vm10, $0x407, v22  }
0x34: {  	v26 =	vadd.s32 s22, v9;
	vm12 =	vlt.s32 v24, $0x407;
	v23 =	vnsel vm11, $0x407, v23;
	[sflag:s10] =	ssyncset.done $0x0  }
0x35: {  	v27 =	vadd.s32 s22, v10;
	vm14 =	vlt.s32 v26, $0x407;
	v24 =	vnsel vm12, $0x407, v24;
	[sflag:s10] =	ssyncadd.s32 $0xFFFFFBF8  }
0x36: {  	v25 =	vadd.s32 s22, v8;
	vm15 =	vlt.s32 v27, $0x407;
	v26 =	vnsel vm14, $0x407, v26;
	v20 =	vld.idx.msk [tilespmem:v20+s12+$0x0], $0xffff  }
0x37: {  	vm13 =	vlt.s32 v25, $0x407;
	v27 =	vnsel vm15, $0x407, v27;
	v21 =	vld.idx.msk [tilespmem:v21+s12+$0x0], $0xffff  }
0x38: {  	v25 =	vnsel vm13, $0x407, v25;
	v22 =	vld.idx.msk [tilespmem:v22+s12+$0x0], $0xffff  }
0x39: {  	v23 =	vld.idx.msk [tilespmem:v23+s12+$0x0], $0xffff  }
0x3a: {  	v24 =	vld.idx.msk [tilespmem:v24+s12+$0x0], $0xffff  }
0x3b: {  	v62 =	vld.idx.msk [tilespmem:v26+s12+$0x0], $0xffff;
	[tilespmem:v2+s13+$0x0] =	vst.idx.msk $0xffff, v20  }
0x3c: {  	v63 =	vld.idx.msk [tilespmem:v27+s12+$0x0], $0xffff;
	[tilespmem:v4+s13+$0x0] =	vst.idx.msk $0xffff, v21  }
0x3d: {  	v20 =	vld.idx.msk [tilespmem:v25+s12+$0x0], $0xffff;
	[tilespmem:v5+s13+$0x0] =	vst.idx.msk $0xffff, v22  }
0x3e: {  	p0 =	slt.u32 s21, $0x81;
	[tilespmem:v6+s13+$0x0] =	vst.idx.msk $0xffff, v23  }
.Ltmp3:
0x3f: {  	[tilespmem:v7+s13+$0x0] =	vst.idx.msk $0xffff, v24;
	(pc) =	sbr.rel @p0 .LBB2_17-.Ltmp3, $4  }
0x40: {  	[tilespmem:v9+s13+$0x0] =	vst.idx.msk $0xffff, v62  }
0x41: {  	[tilespmem:v10+s13+$0x0] =	vst.idx.msk $0xffff, v63  }
0x42: {  	[tilespmem:v8+s13+$0x0] =	vst.idx.msk $0xffff, v20  }
0x43: {  	[tilespmem:s11], [sflag:$0x1] =	stream.indirect.gather [hbm4b:s4+s14], $0x1, s13, s14, $0xb8;
	[tilespmem:$0xC20] =	vst v63  }
0x44: {  	v20 =	vmov s22  }
0x45: {  	v21 =	vadd.s32 v11, v20  }
0x46: {  	v23 =	vadd.s32 v13, v20;
	vm0 =	vlt.s32 v21, $0x407  }
0x47: {  	v22 =	vadd.s32 v12, v20;
	vm10 =	vlt.s32 v23, $0x407;
	v21 =	vnsel vm0, $0x407, v21  }
0x48: {  	v24 =	vadd.s32 v14, v20;
	vm9 =	vlt.s32 v22, $0x407;
	v23 =	vnsel vm10, $0x407, v23  }
0x49: {  	v25 =	vadd.s32 v15, v20;
	vm11 =	vlt.s32 v24, $0x407;
	v22 =	vnsel vm9, $0x407, v22  }
0x4a: {  	v26 =	vadd.s32 v16, v20;
	vm12 =	vlt.s32 v25, $0x407;
	v24 =	vnsel vm11, $0x407, v24  }
0x4b: {  	v28 =	vadd.s32 v18, v20;
	vm13 =	vlt.s32 v26, $0x407;
	v25 =	vnsel vm12, $0x407, v25  }
0x4c: {  	v27 =	vadd.s32 v17, v20;
	vm15 =	vlt.s32 v28, $0x407;
	v26 =	vnsel vm13, $0x407, v26;
	v21 =	vld.idx.msk [tilespmem:v21+s12+$0x0], $0xffff  }
0x4d: {  	vm14 =	vlt.s32 v27, $0x407;
	v28 =	vnsel vm15, $0x407, v28;
	v23 =	vld.idx.msk [tilespmem:v23+s12+$0x0], $0xffff  }
0x4e: {  	v27 =	vnsel vm14, $0x407, v27;
	v22 =	vld.idx.msk [tilespmem:v22+s12+$0x0], $0xffff  }
0x4f: {  	s23 =	simm.s32 @!p1 $0x0;
	v24 =	vld.idx.msk [tilespmem:v24+s12+$0x0], $0xffff  }
0x50: {  	s23 =	simm.s32 @p1 $0x1;
	p1 =	slt.u32 s21, $0x101;
	v25 =	vld.idx.msk [tilespmem:v25+s12+$0x0], $0xffff  }
0x51: {  	v29 =	vlaneseq.u32 @!p1;
	[tilespmem:v11+s13+$0x0] =	vst.idx.msk $0xffff, v21;
	v21 =	vld.idx.msk [tilespmem:v26+s12+$0x0], $0xffff  }
0x52: {  	v30 =	vor.u32 @!p1 $0x110, v29;
	v26 =	vor.u32 @!p1 $0x100, v29;
	[tilespmem:v13+s13+$0x0] =	vst.idx.msk $0xffff, v23;
	v23 =	vld.idx.msk [tilespmem:v28+s12+$0x0], $0xffff  }
0x53: {  	v31 =	vor.u32 @!p1 $0x130, v29;
	v32 =	vor.u32 @!p1 $0x140, v29;
	[tilespmem:v12+s13+$0x0] =	vst.idx.msk $0xffff, v22;
	v22 =	vld.idx.msk [tilespmem:v27+s12+$0x0], $0xffff;
	v27 =	vadd.s32 @!p1 v26, v20  }
0x54: {  	v34 =	vor.u32 @!p1 $0x160, v29;
	v28 =	vadd.s32 @!p1 v30, v20;
	[tilespmem:v14+s13+$0x0] =	vst.idx.msk $0xffff, v24;
	vm0 =	vlt.s32 @!p1 v27, $0x407  }
0x55: {  	[tilespmem:v15+s13+$0x0] =	vst.idx.msk $0xffff, v25;
	v24 =	vnsel @!p1 vm0, $0x407, v27;
	vm0 =	vlt.s32 @!p1 v28, $0x407;
	v27 =	vor.u32 @!p1 $0x120, v29  }
0x56: {  	v35 =	vadd.s32 @!p1 v34, v20;
	v25 =	vnsel @!p1 vm0, $0x407, v28;
	v28 =	vadd.s32 @!p1 v27, v20;
	[tilespmem:v16+s13+$0x0] =	vst.idx.msk $0xffff, v21  }
0x57: {  	vm0 =	vlt.s32 @!p1 v28, $0x407;
	v21 =	vadd.s32 @!p1 v31, v20;
	[tilespmem:v18+s13+$0x0] =	vst.idx.msk $0xffff, v23;
	v23 =	vor.u32 @!p1 $0x150, v29  }
0x58: {  	[tilespmem:v17+s13+$0x0] =	vst.idx.msk $0xffff, v22;
	v22 =	vnsel @!p1 vm0, $0x407, v28;
	vm0 =	vlt.s32 @!p1 v21, $0x407;
	v28 =	vadd.s32 @!p1 v32, v20  }
0x59: {  	s22 =	simm.s32 @!p1 $0x18;
	v33 =	vadd.s32 @!p1 v23, v20;
	v21 =	vnsel @!p1 vm0, $0x407, v21;
	vm0 =	vlt.s32 @!p1 v28, $0x407  }
0x5a: {  	v29 =	vor.u32 @!p1 $0x170, v29;
	[tilespmem:s16], [sflag:$0x1] =	stream.indirect.gather [hbm4b:s4+s14], $0x1, s15, s14, $0xb8;
	v28 =	vnsel @!p1 vm0, $0x407, v28;
	vm0 =	vlt.s32 @!p1 v33, $0x407;
	[tilespmem:$0xC20] =	vst v63  }
0x5b: {  	v36 =	vadd.s32 @!p1 v29, v20;
	v24 =	vld.idx.msk @!p1 [tilespmem:v24+s22+$0x0], $0xffff;
	v33 =	vnsel @!p1 vm0, $0x407, v33;
	vm0 =	vlt.s32 @!p1 v35, $0x407  }
0x5c: {  	v25 =	vld.idx.msk @!p1 [tilespmem:v25+s22+$0x0], $0xffff;
	v35 =	vnsel @!p1 vm0, $0x407, v35;
	vm0 =	vlt.s32 @!p1 v36, $0x407  }
0x5d: {  	p0 =	slt.u32 @!p1 s21, $0x181;
	v22 =	vld.idx.msk @!p1 [tilespmem:v22+s22+$0x0], $0xffff;
	v36 =	vnsel @!p1 vm0, $0x407, v36  }
0x5e: {  	p2 =	por p1, p0;
	v21 =	vld.idx.msk @!p1 [tilespmem:v21+s22+$0x0], $0xffff  }
0x5f: {  	[smem:$0x7FD] =	sst s23;
	s23 =	simm.s32 @!p1 $0x420;
	v37 =	vlaneseq.u32 @!p2;
	v28 =	vld.idx.msk @!p1 [tilespmem:v28+s22+$0x0], $0xffff  }
0x60: {  	[tilespmem:v26+s23+$0x0] =	vst.idx.msk @!p1 $0xffff, v24;
	v26 =	vor.u32 @!p2 $0x180, v37;
	v24 =	vld.idx.msk @!p1 [tilespmem:v33+s22+$0x0], $0xffff  }
0x61: {  	[tilespmem:v30+s23+$0x0] =	vst.idx.msk @!p1 $0xffff, v25;
	v30 =	vadd.s32 @!p2 v26, v20;
	v25 =	vld.idx.msk @!p1 [tilespmem:v35+s22+$0x0], $0xffff  }
0x62: {  	v33 =	vor.u32 @!p2 $0x190, v37;
	vm0 =	vlt.s32 @!p2 v30, $0x407;
	v35 =	vor.u32 @!p2 $0x1F0, v37;
	[tilespmem:v27+s23+$0x0] =	vst.idx.msk @!p1 $0xffff, v22;
	v22 =	vld.idx.msk @!p1 [tilespmem:v36+s22+$0x0], $0xffff  }
0x63: {  	v27 =	vadd.s32 @!p2 v33, v20;
	[tilespmem:v31+s23+$0x0] =	vst.idx.msk @!p1 $0xffff, v21;
	v21 =	vnsel @!p2 vm0, $0x407, v30;
	v30 =	vor.u32 @!p2 $0x1A0, v37  }
0x64: {  	vm0 =	vlt.s32 @!p2 v27, $0x407;
	v31 =	vor.u32 @!p2 $0x1B0, v37;
	[tilespmem:v32+s23+$0x0] =	vst.idx.msk @!p1 $0xffff, v28;
	v28 =	vadd.s32 @!p2 v30, v20  }
0x65: {  	v27 =	vnsel @!p2 vm0, $0x407, v27;
	[tilespmem:v23+s23+$0x0] =	vst.idx.msk @!p1 $0xffff, v24;
	vm0 =	vlt.s32 @!p2 v28, $0x407;
	v23 =	vadd.s32 @!p2 v31, v20  }
0x66: {  	v24 =	vor.u32 @!p2 $0x1C0, v37;
	[tilespmem:v34+s23+$0x0] =	vst.idx.msk @!p1 $0xffff, v25;
	v25 =	vnsel @!p2 vm0, $0x407, v28;
	vm0 =	vlt.s32 @!p2 v23, $0x407  }
0x67: {  	s24 =	simm.s32 @!p1 $0x920;
	s22 =	simm.s32 @!p1 $0x80;
	v28 =	vadd.s32 @!p2 v24, v20;
	[tilespmem:v29+s23+$0x0] =	vst.idx.msk @!p1 $0xffff, v22;
	s23 =	simm.s32 @!p1 $0x520;
	v22 =	vnsel @!p2 vm0, $0x407, v23;
	v23 =	vor.u32 @!p2 $0x1D0, v37  }
0x68: {  	v32 =	vor.u32 @!p2 $0x1E0, v37;
	vm0 =	vlt.s32 @!p2 v28, $0x407;
	[tilespmem:s24], [sflag:$0x1] =	stream.indirect.gather @!p1 [hbm4b:s4+s22], $0x1, s23, s22, $0xb8;
	v29 =	vadd.s32 @!p2 v23, v20;
	[tilespmem:$0xC20] =	vst v63  }
0x69: {  	v34 =	vadd.s32 @!p2 v32, v20;
	v28 =	vnsel @!p2 vm0, $0x407, v28;
	s22 =	simm.s32 @!p2 $0x18;
	vm0 =	vlt.s32 @!p2 v29, $0x407  }
0x6a: {  	v36 =	vadd.s32 @!p2 v35, v20;
	v21 =	vld.idx.msk @!p2 [tilespmem:v21+s22+$0x0], $0xffff;
	v29 =	vnsel @!p2 vm0, $0x407, v29;
	vm0 =	vlt.s32 @!p2 v34, $0x407  }
0x6b: {  	v27 =	vld.idx.msk @!p2 [tilespmem:v27+s22+$0x0], $0xffff;
	v34 =	vnsel @!p2 vm0, $0x407, v34;
	vm0 =	vlt.s32 @!p2 v36, $0x407  }
0x6c: {  	p0 =	slt.u32 @!p2 s21, $0x201;
	v25 =	vld.idx.msk @!p2 [tilespmem:v25+s22+$0x0], $0xffff;
	v36 =	vnsel @!p2 vm0, $0x407, v36  }
0x6d: {  	p3 =	por p2, p0;
	v22 =	vld.idx.msk @!p2 [tilespmem:v22+s22+$0x0], $0xffff  }
0x6e: {  	v37 =	vlaneseq.u32 @!p3;
	s23 =	simm.s32 @!p2 $0x420;
	v28 =	vld.idx.msk @!p2 [tilespmem:v28+s22+$0x0], $0xffff  }
0x6f: {  	[tilespmem:v26+s23+$0x0] =	vst.idx.msk @!p2 $0xffff, v21;
	v26 =	vor.u32 @!p3 $0x200, v37;
	v21 =	vld.idx.msk @!p2 [tilespmem:v29+s22+$0x0], $0xffff  }
0x70: {  	[tilespmem:v33+s23+$0x0] =	vst.idx.msk @!p2 $0xffff, v27;
	v33 =	vor.u32 @!p3 $0x210, v37;
	v29 =	vadd.s32 @!p3 v26, v20;
	v27 =	vld.idx.msk @!p2 [tilespmem:v34+s22+$0x0], $0xffff  }
0x71: {  	[tilespmem:v30+s23+$0x0] =	vst.idx.msk @!p2 $0xffff, v25;
	vm0 =	vlt.s32 @!p3 v29, $0x407;
	v30 =	vadd.s32 @!p3 v33, v20;
	v25 =	vld.idx.msk @!p2 [tilespmem:v36+s22+$0x0], $0xffff  }
0x72: {  	[tilespmem:v31+s23+$0x0] =	vst.idx.msk @!p2 $0xffff, v22;
	v22 =	vnsel @!p3 vm0, $0x407, v29;
	vm0 =	vlt.s32 @!p3 v30, $0x407;
	v29 =	vor.u32 @!p3 $0x220, v37  }
0x73: {  	[tilespmem:v24+s23+$0x0] =	vst.idx.msk @!p2 $0xffff, v28;
	v24 =	vnsel @!p3 vm0, $0x407, v30;
	v28 =	vadd.s32 @!p3 v29, v20;
	v30 =	vor.u32 @!p3 $0x230, v37  }
0x74: {  	vm0 =	vlt.s32 @!p3 v28, $0x407;
	[tilespmem:v23+s23+$0x0] =	vst.idx.msk @!p2 $0xffff, v21;
	v21 =	vadd.s32 @!p3 v30, v20;
	v23 =	vor.u32 @!p3 $0x240, v37  }
0x75: {  	[tilespmem:v32+s23+$0x0] =	vst.idx.msk @!p2 $0xffff, v27;
	v27 =	vnsel @!p3 vm0, $0x407, v28;
	vm0 =	vlt.s32 @!p3 v21, $0x407;
	v28 =	vadd.s32 @!p3 v23, v20  }
0x76: {  	s24 =	simm.s32 @!p2 $0x9A0;
	s22 =	simm.s32 @!p2 $0x80;
	v32 =	vor.u32 @!p3 $0x260, v37;
	[tilespmem:v35+s23+$0x0] =	vst.idx.msk @!p2 $0xffff, v25;
	s23 =	simm.s32 @!p2 $0x5A0;
	v21 =	vnsel @!p3 vm0, $0x407, v21;
	v25 =	vor.u32 @!p3 $0x250, v37  }
0x77: {  	vm0 =	vlt.s32 @!p3 v28, $0x407;
	v34 =	vadd.s32 @!p3 v32, v20;
	[tilespmem:s24], [sflag:$0x1] =	stream.indirect.gather @!p2 [hbm4b:s4+s22], $0x1, s23, s22, $0xb8;
	v31 =	vadd.s32 @!p3 v25, v20;
	[tilespmem:$0xC20] =	vst v63  }
0x78: {  	v35 =	vor.u32 @!p3 $0x270, v37;
	v28 =	vnsel @!p3 vm0, $0x407, v28;
	s22 =	simm.s32 @!p3 $0x18;
	vm0 =	vlt.s32 @!p3 v31, $0x407  }
0x79: {  	v36 =	vadd.s32 @!p3 v35, v20;
	v22 =	vld.idx.msk @!p3 [tilespmem:v22+s22+$0x0], $0xffff;
	v31 =	vnsel @!p3 vm0, $0x407, v31;
	vm0 =	vlt.s32 @!p3 v34, $0x407  }
0x7a: {  	v24 =	vld.idx.msk @!p3 [tilespmem:v24+s22+$0x0], $0xffff;
	v34 =	vnsel @!p3 vm0, $0x407, v34;
	vm0 =	vlt.s32 @!p3 v36, $0x407  }
0x7b: {  	p0 =	slt.u32 @!p3 s21, $0x281;
	v27 =	vld.idx.msk @!p3 [tilespmem:v27+s22+$0x0], $0xffff;
	v36 =	vnsel @!p3 vm0, $0x407, v36  }
0x7c: {  	p4 =	por p3, p0;
	v21 =	vld.idx.msk @!p3 [tilespmem:v21+s22+$0x0], $0xffff  }
0x7d: {  	v37 =	vlaneseq.u32 @!p4;
	s23 =	simm.s32 @!p3 $0x420;
	v28 =	vld.idx.msk @!p3 [tilespmem:v28+s22+$0x0], $0xffff  }
0x7e: {  	[tilespmem:v26+s23+$0x0] =	vst.idx.msk @!p3 $0xffff, v22;
	v26 =	vor.u32 @!p4 $0x280, v37;
	v22 =	vld.idx.msk @!p3 [tilespmem:v31+s22+$0x0], $0xffff  }
0x7f: {  	[tilespmem:v33+s23+$0x0] =	vst.idx.msk @!p3 $0xffff, v24;
	v33 =	vor.u32 @!p4 $0x290, v37;
	v31 =	vadd.s32 @!p4 v26, v20;
	v24 =	vld.idx.msk @!p3 [tilespmem:v34+s22+$0x0], $0xffff  }
0x80: {  	[tilespmem:v29+s23+$0x0] =	vst.idx.msk @!p3 $0xffff, v27;
	vm0 =	vlt.s32 @!p4 v31, $0x407;
	v29 =	vadd.s32 @!p4 v33, v20;
	v27 =	vld.idx.msk @!p3 [tilespmem:v36+s22+$0x0], $0xffff  }
0x81: {  	[tilespmem:v30+s23+$0x0] =	vst.idx.msk @!p3 $0xffff, v21;
	v21 =	vnsel @!p4 vm0, $0x407, v31;
	vm0 =	vlt.s32 @!p4 v29, $0x407;
	v30 =	vor.u32 @!p4 $0x2A0, v37  }
0x82: {  	[tilespmem:v23+s23+$0x0] =	vst.idx.msk @!p3 $0xffff, v28;
	v23 =	vnsel @!p4 vm0, $0x407, v29;
	v28 =	vadd.s32 @!p4 v30, v20;
	v29 =	vor.u32 @!p4 $0x2B0, v37  }
0x83: {  	vm0 =	vlt.s32 @!p4 v28, $0x407;
	[tilespmem:v25+s23+$0x0] =	vst.idx.msk @!p3 $0xffff, v22;
	v22 =	vadd.s32 @!p4 v29, v20;
	v25 =	vor.u32 @!p4 $0x2C0, v37  }
0x84: {  	[tilespmem:v32+s23+$0x0] =	vst.idx.msk @!p3 $0xffff, v24;
	v24 =	vnsel @!p4 vm0, $0x407, v28;
	vm0 =	vlt.s32 @!p4 v22, $0x407;
	v28 =	vadd.s32 @!p4 v25, v20  }
0x85: {  	s24 =	simm.s32 @!p3 $0xA20;
	s22 =	simm.s32 @!p3 $0x80;
	v32 =	vor.u32 @!p4 $0x2E0, v37;
	[tilespmem:v35+s23+$0x0] =	vst.idx.msk @!p3 $0xffff, v27;
	s23 =	simm.s32 @!p3 $0x620;
	v22 =	vnsel @!p4 vm0, $0x407, v22;
	v27 =	vor.u32 @!p4 $0x2D0, v37  }
0x86: {  	vm0 =	vlt.s32 @!p4 v28, $0x407;
	v34 =	vadd.s32 @!p4 v32, v20;
	[tilespmem:s24], [sflag:$0x1] =	stream.indirect.gather @!p3 [hbm4b:s4+s22], $0x1, s23, s22, $0xb8;
	v31 =	vadd.s32 @!p4 v27, v20;
	[tilespmem:$0xC20] =	vst v63  }
0x87: {  	v35 =	vor.u32 @!p4 $0x2F0, v37;
	v28 =	vnsel @!p4 vm0, $0x407, v28;
	s22 =	simm.s32 @!p4 $0x18;
	vm0 =	vlt.s32 @!p4 v31, $0x407  }
0x88: {  	v36 =	vadd.s32 @!p4 v35, v20;
	v21 =	vld.idx.msk @!p4 [tilespmem:v21+s22+$0x0], $0xffff;
	v31 =	vnsel @!p4 vm0, $0x407, v31;
	vm0 =	vlt.s32 @!p4 v34, $0x407  }
0x89: {  	v23 =	vld.idx.msk @!p4 [tilespmem:v23+s22+$0x0], $0xffff;
	v34 =	vnsel @!p4 vm0, $0x407, v34;
	vm0 =	vlt.s32 @!p4 v36, $0x407  }
0x8a: {  	v24 =	vld.idx.msk @!p4 [tilespmem:v24+s22+$0x0], $0xffff;
	v36 =	vnsel @!p4 vm0, $0x407, v36  }
0x8b: {  	v22 =	vld.idx.msk @!p4 [tilespmem:v22+s22+$0x0], $0xffff  }
0x8c: {  	s23 =	simm.s32 @!p4 $0x420;
	v28 =	vld.idx.msk @!p4 [tilespmem:v28+s22+$0x0], $0xffff  }
0x8d: {  	[tilespmem:v26+s23+$0x0] =	vst.idx.msk @!p4 $0xffff, v21;
	v21 =	vld.idx.msk @!p4 [tilespmem:v31+s22+$0x0], $0xffff  }
0x8e: {  	[tilespmem:v33+s23+$0x0] =	vst.idx.msk @!p4 $0xffff, v23;
	v23 =	vld.idx.msk @!p4 [tilespmem:v34+s22+$0x0], $0xffff  }
0x8f: {  	p0 =	slt.u32 @!p4 s21, $0x301;
	[tilespmem:v30+s23+$0x0] =	vst.idx.msk @!p4 $0xffff, v24;
	v24 =	vld.idx.msk @!p4 [tilespmem:v36+s22+$0x0], $0xffff  }
0x90: {  	p0 =	por p4, p0;
	[tilespmem:v29+s23+$0x0] =	vst.idx.msk @!p4 $0xffff, v22  }
.Ltmp4:
0x91: {  	[tilespmem:v25+s23+$0x0] =	vst.idx.msk @!p4 $0xffff, v28;
	(pc) =	sbr.rel @p0 .LBB2_4-.Ltmp4, $4  }
0x92: {  	[tilespmem:v27+s23+$0x0] =	vst.idx.msk @!p4 $0xffff, v21  }
0x93: {  	[tilespmem:v32+s23+$0x0] =	vst.idx.msk @!p4 $0xffff, v23  }
0x94: {  	s24 =	simm.s32 @!p4 $0xAA0;
	s22 =	simm.s32 @!p4 $0x80;
	[tilespmem:v35+s23+$0x0] =	vst.idx.msk @!p4 $0xffff, v24;
	s23 =	simm.s32 @!p4 $0x6A0  }
0x95: {  	[tilespmem:s24], [sflag:$0x1] =	stream.indirect.gather @!p4 [hbm4b:s4+s22], $0x1, s23, s22, $0xb8;
	[tilespmem:$0xC20] =	vst v63  }
0x96: {  	v21 =	vor.u32 $0x300, v2  }
0x97: {  	v23 =	vor.u32 $0x310, v2;
	v25 =	vor.u32 $0x320, v2;
	v27 =	vor.u32 $0x330, v2  }
0x98: {  	v29 =	vor.u32 $0x340, v2;
	v33 =	vor.u32 $0x360, v2;
	v22 =	vadd.s32 v21, v20  }
0x99: {  	v35 =	vor.u32 $0x370, v2;
	v24 =	vadd.s32 v23, v20;
	vm0 =	vlt.s32 v22, $0x407  }
0x9a: {  	v26 =	vadd.s32 v25, v20;
	vm9 =	vlt.s32 v24, $0x407;
	v22 =	vnsel vm0, $0x407, v22  }
0x9b: {  	v28 =	vadd.s32 v27, v20;
	vm10 =	vlt.s32 v26, $0x407;
	v24 =	vnsel vm9, $0x407, v24  }
0x9c: {  	v30 =	vadd.s32 v29, v20;
	vm11 =	vlt.s32 v28, $0x407;
	v26 =	vnsel vm10, $0x407, v26  }
0x9d: {  	v34 =	vadd.s32 v33, v20;
	vm12 =	vlt.s32 v30, $0x407;
	v28 =	vnsel vm11, $0x407, v28  }
0x9e: {  	v36 =	vadd.s32 v35, v20;
	vm14 =	vlt.s32 v34, $0x407;
	v30 =	vnsel vm12, $0x407, v30  }
0x9f: {  	v31 =	vor.u32 $0x350, v2;
	vm15 =	vlt.s32 v36, $0x407;
	v34 =	vnsel vm14, $0x407, v34;
	v22 =	vld.idx.msk [tilespmem:v22+s12+$0x0], $0xffff  }
0xa0: {  	v32 =	vadd.s32 v31, v20;
	v36 =	vnsel vm15, $0x407, v36;
	v24 =	vld.idx.msk [tilespmem:v24+s12+$0x0], $0xffff  }
0xa1: {  	vm13 =	vlt.s32 v32, $0x407;
	v26 =	vld.idx.msk [tilespmem:v26+s12+$0x0], $0xffff  }
0xa2: {  	v32 =	vnsel vm13, $0x407, v32;
	v28 =	vld.idx.msk [tilespmem:v28+s12+$0x0], $0xffff  }
0xa3: {  	v30 =	vld.idx.msk [tilespmem:v30+s12+$0x0], $0xffff  }
0xa4: {  	v62 =	vld.idx.msk [tilespmem:v34+s12+$0x0], $0xffff;
	[tilespmem:v21+s13+$0x0] =	vst.idx.msk $0xffff, v22  }
0xa5: {  	p2 =	slt.u32 s21, $0x381;
	v63 =	vld.idx.msk [tilespmem:v36+s12+$0x0], $0xffff;
	[tilespmem:v23+s13+$0x0] =	vst.idx.msk $0xffff, v24  }
0xa6: {  	v37 =	vlaneseq.u32 @!p2;
	[tilespmem:v25+s13+$0x0] =	vst.idx.msk $0xffff, v26  }
0xa7: {  	v61 =	vld.idx.msk [tilespmem:v32+s12+$0x0], $0xffff;
	v32 =	vor.u32 @!p2 $0x390, v37;
	v22 =	vor.u32 @!p2 $0x380, v37;
	[tilespmem:v27+s13+$0x0] =	vst.idx.msk $0xffff, v28  }
0xa8: {  	v26 =	vadd.s32 @!p2 v32, v20;
	v27 =	vor.u32 @!p2 $0x3A0, v37;
	[tilespmem:v29+s13+$0x0] =	vst.idx.msk $0xffff, v30;
	v29 =	vor.u32 @!p2 $0x3B0, v37  }
0xa9: {  	v30 =	vor.u32 @!p2 $0x3C0, v37;
	[tilespmem:v33+s13+$0x0] =	vst.idx.msk $0xffff, v62;
	v25 =	vor.u32 @!p2 $0x3D0, v37;
	v24 =	vadd.s32 @!p2 v22, v20  }
0xaa: {  	[tilespmem:v35+s13+$0x0] =	vst.idx.msk $0xffff, v63;
	v33 =	vor.u32 @!p2 $0x3E0, v37;
	v35 =	vor.u32 @!p2 $0x3F0, v37;
	vm0 =	vlt.s32 @!p2 v24, $0x407  }
0xab: {  	v28 =	vadd.s32 @!p2 v27, v20;
	v24 =	vnsel @!p2 vm0, $0x407, v24;
	vm0 =	vlt.s32 @!p2 v26, $0x407  }
0xac: {  	v21 =	vadd.s32 @!p2 v29, v20;
	v26 =	vnsel @!p2 vm0, $0x407, v26;
	vm0 =	vlt.s32 @!p2 v28, $0x407  }
0xad: {  	v23 =	vnsel @!p2 vm0, $0x407, v28;
	vm0 =	vlt.s32 @!p2 v21, $0x407;
	v28 =	vadd.s32 @!p2 v30, v20  }
0xae: {  	s22 =	simm.s32 @!p2 $0x18;
	[tilespmem:v31+s13+$0x0] =	vst.idx.msk $0xffff, v61;
	v31 =	vadd.s32 @!p2 v25, v20;
	v21 =	vnsel @!p2 vm0, $0x407, v21;
	vm0 =	vlt.s32 @!p2 v28, $0x407  }
0xaf: {  	[tilespmem:s18], [sflag:$0x1] =	stream.indirect.gather [hbm4b:s4+s14], $0x1, s17, s14, $0xb8;
	v34 =	vadd.s32 @!p2 v33, v20;
	v28 =	vnsel @!p2 vm0, $0x407, v28;
	vm0 =	vlt.s32 @!p2 v31, $0x407;
	[tilespmem:$0xC20] =	vst v63  }
0xb0: {  	v20 =	vadd.s32 @!p2 v35, v20;
	v24 =	vld.idx.msk @!p2 [tilespmem:v24+s22+$0x0], $0xffff;
	v31 =	vnsel @!p2 vm0, $0x407, v31;
	vm0 =	vlt.s32 @!p2 v34, $0x407  }
0xb1: {  	v26 =	vld.idx.msk @!p2 [tilespmem:v26+s22+$0x0], $0xffff;
	v34 =	vnsel @!p2 vm0, $0x407, v34;
	vm0 =	vlt.s32 @!p2 v20, $0x407  }
0xb2: {  	v20 =	vnsel @!p2 vm0, $0x407, v20;
	v23 =	vld.idx.msk @!p2 [tilespmem:v23+s22+$0x0], $0xffff  }
0xb3: {  	v21 =	vld.idx.msk @!p2 [tilespmem:v21+s22+$0x0], $0xffff  }
0xb4: {  	s23 =	simm.s32 @!p2 $0x420;
	v28 =	vld.idx.msk @!p2 [tilespmem:v28+s22+$0x0], $0xffff  }
0xb5: {  	[tilespmem:v22+s23+$0x0] =	vst.idx.msk @!p2 $0xffff, v24;
	v22 =	vld.idx.msk @!p2 [tilespmem:v31+s22+$0x0], $0xffff  }
0xb6: {  	[tilespmem:v32+s23+$0x0] =	vst.idx.msk @!p2 $0xffff, v26;
	v24 =	vld.idx.msk @!p2 [tilespmem:v34+s22+$0x0], $0xffff  }
0xb7: {  	[tilespmem:v27+s23+$0x0] =	vst.idx.msk @!p2 $0xffff, v23;
	v20 =	vld.idx.msk @!p2 [tilespmem:v20+s22+$0x0], $0xffff  }
0xb8: {  	[tilespmem:v29+s23+$0x0] =	vst.idx.msk @!p2 $0xffff, v21  }
0xb9: {  	[tilespmem:v30+s23+$0x0] =	vst.idx.msk @!p2 $0xffff, v28  }
0xba: {  	p4 =	por $0x1, $0x1;
	[tilespmem:v25+s23+$0x0] =	vst.idx.msk @!p2 $0xffff, v22  }
0xbb: {  	p3 =	por $0x1, $0x1;
	p5 =	por $0x1, $0x1;
	s24 =	simm.s32 @!p2 $0xBA0;
	[tilespmem:v33+s23+$0x0] =	vst.idx.msk @!p2 $0xffff, v24  }
0xbc: {  	p0 =	por @!p2 $0x1, $0x1;
	s22 =	simm.s32 @!p2 $0x80;
	[tilespmem:v35+s23+$0x0] =	vst.idx.msk @!p2 $0xffff, v20;
	s23 =	simm.s32 @!p2 $0x7A0  }
0xbd: {  	[tilespmem:s24], [sflag:$0x1] =	stream.indirect.gather @!p2 [hbm4b:s4+s22], $0x1, s23, s22, $0xb8;
	[tilespmem:$0xC20] =	vst v63  }
.Ltmp5:
0xbe: {  	p6 =	por @!p2 $0x1, $0x1;
	p3 =	por @!p2 p0, p0;
	(pc) =	sbr.rel .LBB2_6-.Ltmp5, $4  }
0xbf: {  	p4 =	por @!p2 p0, p0;
	p5 =	por @!p2 p0, p0;
	s22 =	simm.s32 @!p3 $0x0  }
0xc0: {  	p0 =	por $0x0, $0x0;
	s22 =	simm.s32 @p3 $0x1;
	p3 =	por $0x1, $0x1  }
0xc1: {  	p0 =	por @!p2 p6, p6;
	p3 =	por @!p2 p6, p6  }
0xc2: {  	[smem:$0x7FC] =	sst s22;
	p2 =	por p4, p4;
	p6 =	por p3, p3  }
.LBB2_4:
0xc3: {  	p0 =	por @!p1 $0x0, $0x0;
	p5 =	por $0x0, $0x0  }
0xc4: {  	p5 =	por @!p1 p0, p0  }
0xc5: {  	p0 =	por @!p2 $0x0, $0x0;
	p6 =	por p5, p5  }
0xc6: {  	p6 =	por @!p2 p0, p0;
	p0 =	por @!p2 $0x1, $0x1  }
0xc7: {  	p5 =	por @!p2 p0, p0;
	p0 =	por p6, p6;
	p2 =	por @!p3 $0x0, $0x0  }
0xc8: {  	p0 =	por @!p3 p2, p2;
	p2 =	por @!p3 $0x1, $0x1  }
0xc9: {  	p6 =	por @!p3 p2, p2;
	p2 =	por @!p3 $0x1, $0x1  }
0xca: {  	p5 =	por @!p3 p2, p2;
	p2 =	por @!p4 $0x1, $0x1  }
0xcb: {  	p6 =	por @!p4 p2, p2  }
0xcc: {  	s22 =	simm.s32 @!p6 $0x0  }
0xcd: {  	s22 =	simm.s32 @p6 $0x1;
	p6 =	por p0, p0  }
0xce: {  	p5 =	por @!p4 p2, p2;
	p6 =	por @!p4 p2, p2;
	p2 =	por @!p4 $0x0, $0x0  }
0xcf: {  	p3 =	por p0, p0;
	p0 =	por @!p4 p2, p2  }
0xd0: {  	p2 =	por p0, p0;
	p0 =	por @!p4 $0x0, $0x0  }
0xd1: {  	p3 =	por @!p4 p0, p0  }
0xd2: {  	[smem:$0x7FC] =	sst s22;
	p0 =	por p3, p3  }
.LBB2_6:
0xd3: {  	_ =	swait.ge [sflag:s7], $0x80  }
.Ltmp6:
0xd4: {  	[sflag:s7] =	ssyncset.done $0x0;
	(pc) =	sbr.rel @p1 .LBB2_12-.Ltmp6, $4  }
0xd5: {  	[sflag:s7] =	ssyncadd.s32 $0xFFFFFF80  }
0xd6: {  	_ =	swait.ge [sflag:s7], $0x80  }
0xd7: {  	[sflag:s7] =	ssyncset.done $0x0  }
0xd8: {  	[sflag:s7] =	ssyncadd.s32 $0xFFFFFF80  }
.Ltmp7:
0xd9: {  	(pc) =	sbr.rel @p5 .LBB2_13-.Ltmp7, $4  }
0xda: {  	_ = 	snop  }
0xdb: {  	_ =	swait.ge [sflag:s7], $0x80  }
0xdc: {  	[sflag:s7] =	ssyncset.done $0x0  }
0xdd: {  	[sflag:s7] =	ssyncadd.s32 $0xFFFFFF80  }
.LBB2_8:
0xde: {  	s31 =	sld [smem:$0x7FC];
	_ =	sdelay $0x2  }
0xdf: {  	p3 =	seq.s32 s31, $0x1  }
.Ltmp8:
0xe0: {  	_ = 	snop;
	(pc) =	sbr.rel @!p3 .LBB2_9-.Ltmp8, $2  }
0xe1: {  	s22 =	sld [smem:$0x7FD];
	_ =	sdelay $0x2  }
0xe2: {  	p1 =	seq.s32 s22, $0x1  }
.LBB2_14:
.Ltmp9:
0xe3: {  	(pc) =	sbr.rel @p6 .LBB2_15-.Ltmp9, $4  }
0xe4: {  	_ = 	snop  }
0xe5: {  	_ =	swait.ge [sflag:s7], $0x80  }
0xe6: {  	[sflag:s7] =	ssyncset.done $0x0  }
0xe7: {  	[sflag:s7] =	ssyncadd.s32 $0xFFFFFF80  }
.LBB2_10:
.Ltmp10:
0xe8: {  	(pc) =	sbr.rel @!p2 .LBB2_11-.Ltmp10, $1  }
0xe9: {  	_ =	sdelay $0x3  }
.LBB2_16:
.Ltmp11:
0xea: {  	(pc) =	sbr.rel @!p0 .LBB2_18-.Ltmp11, $4  }
.Ltmp12:
0xeb: {  	(pc) =	sbr.rel @p0 .LBB2_17-.Ltmp12, $4  }
0xec: {  	_ =	swait.ge [sflag:s7], $0x80  }
0xed: {  	[sflag:s7] =	ssyncset.done $0x0  }
0xee: {  	[sflag:s7] =	ssyncadd.s32 $0xFFFFFF80  }
0xef: {  	_ = 	snop  }
.LBB2_12:
.Ltmp13:
0xf0: {  	(pc) =	sbr.rel @!p5 .LBB2_8-.Ltmp13, $1  }
0xf1: {  	_ =	sdelay $0x3  }
.LBB2_13:
0xf2: {  	_ =	swait.ge [sflag:s7], $0x80  }
0xf3: {  	s31 =	sld [smem:$0x7FC];
	_ =	sdelay $0x2  }
0xf4: {  	p3 =	seq.s32 s31, $0x1  }
.Ltmp14:
0xf5: {  	_ = 	snop;
	(pc) =	sbr.rel @p3 .LBB2_14-.Ltmp14, $3  }
0xf6: {  	s22 =	sld [smem:$0x7FD];
	_ =	sdelay $0x1  }
0xf7: {  	[sflag:s7] =	ssyncset.done $0x0  }
0xf8: {  	[sflag:s7] =	ssyncadd.s32 $0xFFFFFF80;
	p1 =	seq.s32 s22, $0x1  }
.LBB2_9:
.Ltmp15:
0xf9: {  	(pc) =	sbr.rel @!p6 .LBB2_10-.Ltmp15, $1  }
0xfa: {  	_ =	sdelay $0x3  }
.LBB2_15:
.Ltmp16:
0xfb: {  	(pc) =	sbr.rel @p2 .LBB2_16-.Ltmp16, $4  }
0xfc: {  	_ = 	snop  }
0xfd: {  	_ =	swait.ge [sflag:s7], $0x80  }
0xfe: {  	[sflag:s7] =	ssyncset.done $0x0  }
0xff: {  	[sflag:s7] =	ssyncadd.s32 $0xFFFFFF80  }
.LBB2_11:
.Ltmp17:
0x100: {  	(pc) =	sbr.rel @!p0 .LBB2_18-.Ltmp17, $1  }
0x101: {  	_ =	sdelay $0x3  }
.LBB2_17:
0x102: {  	_ =	swait.ge [sflag:s7], $0x80  }
0x103: {  	[sflag:s7] =	ssyncset.done $0x0  }
0x104: {  	[sflag:s7] =	ssyncadd.s32 $0xFFFFFF80  }
.LBB2_18:
0x105: {  	p0 =	sgt.s32 s21, $0x0  }
0x106: {  	s21 =	simm.s32 @!p0 $0x0  }
0x107: {  	s21 =	smin.u32 s21, $0x400  }
0x108: {  	s22 =	sand.u32 $0xF, s21  }
0x109: {  	p6 =	sne.s32 s22, $0x0  }
0x10a: {  	p0 =	por !p1, !p6  }
0x10b: {  	s22 =	simm.s32 $0x1;
	p0 =	por !p0, !p0  }
0x10c: {  	s21 =	sshrl.u32 s21, $0x4;
	s22 =	simm.s32 @!p0 $0x0  }
0x10d: {  	s22 =	ssub.s32 s21, s22  }
0x10e: {  	p1 =	sgt.s32 s22, $0x3F  }
0x10f: {  	s23 =	sshll.u32 @!p1 s22, $0x4;
	v20 =	vlaneseq.u32 @!p1  }
0x110: {  	v21 =	vor.u32 @!p1 s23, v20;
	v20 =	vor.u32 @!p1 $0xFFFFFFF8, v20  }
0x111: {  	v20 =	vand.u32 @!p1 v20, v21;
	_ =	sdelay $0x3  }
0x112: {  	s23 =	simm.s32 @!p1 $0x820  }
0x113: {  	p2 =	seq.s32 @!p1 s22, $0x3F;
	v22 =	vld.idx.msk @!p1 [tilespmem:v20+s23+$0x0], $0xffff  }
0x114: {  	p2 =	por p1, p2  }
.Ltmp18:
0x115: {  	_ = 	snop;
	(pc) =	sbr.rel @p2 .LBB2_22-.Ltmp18, $4  }
0x116: {  	v21 =	vadd.s32 @!p1 s20, v21  }
0x117: {  	vm0 =	vlt.s32 @!p1 v21, v19  }
0x118: {  	v19 =	vnsel @!p1 vm0, $0x0, v22  }
0x119: {  	[tilespmem:v20+s23+$0x0] =	vst.idx.msk @!p1 $0xffff, v19  }
0x11a: {  	s20 =	simm.s32 $0xFFFFFFFF;
	s31 =	ssub.s32 $0x3F, s22  }
0x11b: {  	s20 =	simm.s32 @!p0 $0x0;
	p0 =	sne.s32 s31, $0x1  }
.Ltmp19:
0x11c: {  	_ = 	snop;
	(pc) =	sbr.rel @!p0 .LBB2_21-.Ltmp19, $4  }
0x11d: {  	s20 =	sadd.s32 s20, s21  }
0x11e: {  	s20 =	sshll.u32 s20, $0x4  }
0x11f: {  	s20 =	sadd.s32 $0x10, s20  }
0x120: {  	s21 =	sadd.s32 $0xFFFFFFFF, s31;
	v19 =	vor.u32 s20, v2  }
.LBB2_20:
0x121: {  	p0 =	sne.s32 s21, $0x1  }
.Ltmp20:
0x122: {  	_ = 	snop;
	(pc) =	sbr.rel @p0 .LBB2_20-.Ltmp20, $3  }
0x123: {  	_ =	sdelay $0x1  }
0x124: {  	s21 =	sadd.s32 $0xFFFFFFFF, s21;
	[tilespmem:v19+s11+$0x0] =	vst.idx.msk $0xffff, v3;
	s20 =	sadd.s32 $0x10, s20  }
0x125: {  	v19 =	vor.u32 s20, v2  }
.Ltmp21:
0x126: {  	_ = 	snop;
	(pc) =	sbr.rel .LBB2_21-.Ltmp21, $1  }
0x127: {  	_ =	sdelay $0x3  }
.LBB2_23:
0x128: {  	_ =	sfence.sel $0x180000  }
0x129: {  	[bflag:$0x0] =	sbarrier.arrive $0xFFFF  }
0x12a: {  	p0 =	sne.s32 s0, $0x0;
	_ =	strace $0x90000047  }
0x12b: {  	s0 =	sadd.s32 @!p0 $0x100000, s3;
	[bflag:$0x2] =	sbarrier.arrive $0xFFFF  }
0x12c: {  	[sflag:s0] =	ssyncadd.tile.s32 @!p0 $0x1;
	_ =	shalt  }
.Lfunc_end2:
_tile_overlayer_lowered:
.L_overlay_start_2:
0x12d: {  	(tag) =	ssettag $0x2  }
0x12e: {  	s0 =	rddreg [dreg:$0x0];
	s2 =	stileid.u32  }
0x12f: {  	s1 =	rddreg [dreg:$0x1];
	p0 =	sne.s32 s2, $0x0  }
0x130: {  	s3 =	rddreg [dreg:$0x2];
	[bflag:$0x3] =	sbarrier.arrive $0xFFFF;
	s2 =	simm.s32 @!p0 $0x1C02  }
0x131: {  	[timem:s3], [sflag:s2] =	dma.local @!p0 [hbm:s0], s1  }
0x132: {  	s0 =	simm.s32 @!p0 $0x2  }
0x133: {  	_ =	swait.ge @!p0 [sflag:s0], s1  }
0x134: {  	s1 =	ssub.s32 @!p0 $0x0, s1;
	[sflag:s0] =	ssyncset.done @!p0 $0x0  }
0x135: {  	[sflag:s0] =	ssyncadd.s32 @!p0 s1  }
0x136: {  	[bflag:$0x3] =	sbarrier.arrive $0xFFFF  }
0x137: {  	_ =	shalt  }

</sc_bundles>
